<compile_context>
chip_gen: v7x
topology: tpu7x:2x2x1
jax: 0.10.2.dev20260603
libtpu: 0.0.44.dev20260713+nightly
codegen_flags: <defaults>
</compile_context>

<pallas_src>
import functools

import jax
import jax.numpy as jnp
from jax import lax
from jax.experimental import pallas as pl
from jax.experimental.pallas import tpu as pltpu
from jax.experimental.pallas import tpu_sc as plsc

NC, NS = 2, 16
NW = NC * NS
BATCH, SEQ = 4, 4096
N = BATCH * SEQ
D = 1024
PER_W = N // NW
CHUNK = 32
NCHUNK = PER_W // CHUNK

_mesh = plsc.VectorSubcoreMesh(
    core_axis_name="c", subcore_axis_name="s", num_cores=NC, num_subcores=NS
)


@functools.partial(
    pl.kernel,
    out_type=jax.ShapeDtypeStruct((N, D), jnp.float32),
    mesh=_mesh,
    scratch_types=[
        pltpu.VMEM((NCHUNK, CHUNK), jnp.int32),
        pltpu.VMEM((CHUNK, D), jnp.float32),
        pltpu.VMEM((CHUNK, D), jnp.float32),
        pltpu.SemaphoreType.DMA,
        pltpu.SemaphoreType.DMA,
    ],
)
def _emb_lookup(idx_hbm, table_hbm, out_hbm, idx_v, rows0, rows1, gsem, ssem):
    wid = lax.axis_index("s") * NC + lax.axis_index("c")
    base = wid * PER_W
    pltpu.sync_copy(idx_hbm.at[wid], idx_v)

    bufs = (rows0, rows1)
    gathers = [None] * NCHUNK
    scatters = [None] * NCHUNK
    gathers[0] = pltpu.async_copy(table_hbm.at[idx_v.at[0]], rows0, gsem)
    for j in range(NCHUNK):
        cur = bufs[j % 2]
        if j + 1 < NCHUNK:
            if j >= 1:
                scatters[j - 1].wait()
            gathers[j + 1] = pltpu.async_copy(
                table_hbm.at[idx_v.at[j + 1]], bufs[(j + 1) % 2], gsem
            )
        gathers[j].wait()
        scatters[j] = pltpu.async_copy(
            cur, out_hbm.at[pl.ds(base + j * CHUNK, CHUNK)], ssem
        )
    scatters[NCHUNK - 2].wait()
    scatters[NCHUNK - 1].wait()


def kernel(position_ids, pos_emb_weight):
    ids = position_ids.astype(jnp.int32).reshape(NW, NCHUNK, CHUNK)
    out = _emb_lookup(ids, pos_emb_weight)
    return out.reshape(BATCH, SEQ, D)

# --- scband reference (transcript-rebuilt; emitter-appended) ---
"""Pipeline reference for scband-position-embedding-mixin-60035052863501 (READ-ONLY COPY).

The authoritative reference and input builder live on the scoring server;
editing this copy changes nothing except your own understanding.
"""

import jax, jax.numpy as jnp
import numpy as np

ADDITIONAL_SEQ_LEN = 4096
HIDDEN_SIZE = 1024
INIT_STD = 0.02


def setup_inputs(seed: int = 0) -> dict:
    key = jax.random.key(seed)
    k_idx, k_w = jax.random.split(key)
    position_ids = jax.random.randint(k_idx, (4, 4096), 0, ADDITIONAL_SEQ_LEN, dtype=jnp.int64 if jax.config.read('jax_enable_x64') else jnp.int32)
    # learned position embedding table, initialized N(0, init_method_std)
    pos_emb_weight = INIT_STD * jax.random.normal(k_w, (ADDITIONAL_SEQ_LEN, HIDDEN_SIZE), dtype=jnp.float32)
    return {"position_ids": position_ids, "pos_emb_weight": pos_emb_weight}


def reference(position_ids, pos_emb_weight):
    # Faithful translation of torch.nn.Embedding lookup:
    # out[b, s, :] = weight[position_ids[b, s], :]
    return jnp.take(pos_emb_weight, position_ids, axis=0)

if __name__ == "__main__":
    import jax
    _d = setup_inputs()
    print(jax.jit(kernel)(*tuple(_d.values())))

</pallas_src>

<mosaic_0001>
#map = affine_map<(d0, d1) -> (0, 0, 0)>
#map1 = affine_map<(d0, d1) -> (0, 0)>
module attributes {stable_mosaic.version = 14 : i64} {
  func.func @_emb_lookup(%arg0: i32, %arg1: i32, %arg2: memref<32x16x32xi32, #tpu.memory_space<hbm>>, %arg3: memref<4096x1024xf32, #tpu.memory_space<hbm>>, %arg4: memref<16384x1024xf32, #tpu.memory_space<hbm>>, %arg5: memref<16x32xi32, #tpu.memory_space<vmem>>, %arg6: memref<32x1024xf32, #tpu.memory_space<vmem>>, %arg7: memref<32x1024xf32, #tpu.memory_space<vmem>>, %arg8: memref<!tpu.dma_semaphore, #tpu.memory_space<semaphore_mem>>, %arg9: memref<!tpu.dma_semaphore, #tpu.memory_space<semaphore_mem>>) attributes {dimension_semantics = [#tpu.dimension_semantics<core_parallel>, #tpu.dimension_semantics<subcore_parallel>], iteration_bounds = array<i64: 2, 16>, scalar_prefetch = 0 : i64, scratch_operands = 5 : i64, tpu.core_type = #tpu.core_type<sc_vector_subcore>, window_params = [{transform_indices = #map}, {transform_indices = #map1}, {transform_indices = #map1}]} {
    %mul3A = arith.constant 2 : i32
    %mul3A_0 = arith.muli %arg1, %mul3A : i32
    %add3A = arith.addi %mul3A_0, %arg0 : i32
    %mul3A_1 = arith.constant 512 : i32
    %mul3A_2 = arith.muli %add3A, %mul3A_1 : i32
    "tpu.region"() ({
      %run_scoped3A = tpu.sem_alloc : memref<!tpu.dma_semaphore, #tpu.memory_space<semaphore_mem>>
      %dma_start3A_385 = arith.constant 0 : i32
      %dma_start3A_386 = arith.constant 0 : i32
      %dma_start3A_387 = tpu.memref_slice %arg2[%add3A, %dma_start3A_385, %dma_start3A_386] : memref<32x16x32xi32, #tpu.memory_space<hbm>> -> memref<1x16x32xi32, #tpu.memory_space<hbm>>
      %dma_start3A_388 = tpu.memref_squeeze %dma_start3A_387 : memref<1x16x32xi32, #tpu.memory_space<hbm>> -> memref<16x32xi32, #tpu.memory_space<hbm>>
      %dma_start3A_389 = arith.constant 0 : i32
      %dma_start3A_390 = arith.constant 0 : i32
      %dma_start3A_391 = tpu.memref_slice %arg2[%add3A, %dma_start3A_389, %dma_start3A_390] : memref<32x16x32xi32, #tpu.memory_space<hbm>> -> memref<1x16x32xi32, #tpu.memory_space<hbm>>
      %dma_start3A_392 = tpu.memref_squeeze %dma_start3A_391 : memref<1x16x32xi32, #tpu.memory_space<hbm>> -> memref<16x32xi32, #tpu.memory_space<hbm>>
      tpu.enqueue_dma source(%dma_start3A_392 : memref<16x32xi32, #tpu.memory_space<hbm>>) target(%arg5 : memref<16x32xi32, #tpu.memory_space<vmem>>) target_semaphore(%run_scoped3A : memref<!tpu.dma_semaphore, #tpu.memory_space<semaphore_mem>>)
      %dma_wait3A_393 = arith.constant 0 : i32
      %dma_wait3A_394 = arith.constant 0 : i32
      %dma_wait3A_395 = tpu.memref_slice %arg2[%add3A, %dma_wait3A_393, %dma_wait3A_394] : memref<32x16x32xi32, #tpu.memory_space<hbm>> -> memref<1x16x32xi32, #tpu.memory_space<hbm>>
      %dma_wait3A_396 = tpu.memref_squeeze %dma_wait3A_395 : memref<1x16x32xi32, #tpu.memory_space<hbm>> -> memref<16x32xi32, #tpu.memory_space<hbm>>
      %dma_wait3A_397 = arith.constant 0 : i32
      %dma_wait3A_398 = arith.constant 0 : i32
      %dma_wait3A_399 = tpu.memref_slice %arg2[%add3A, %dma_wait3A_397, %dma_wait3A_398] : memref<32x16x32xi32, #tpu.memory_space<hbm>> -> memref<1x16x32xi32, #tpu.memory_space<hbm>>
      %dma_wait3A_400 = tpu.memref_squeeze %dma_wait3A_399 : memref<1x16x32xi32, #tpu.memory_space<hbm>> -> memref<16x32xi32, #tpu.memory_space<hbm>>
      tpu.wait_dma2 semaphore(%run_scoped3A : memref<!tpu.dma_semaphore, #tpu.memory_space<semaphore_mem>>) src(%dma_wait3A_400 : memref<16x32xi32, #tpu.memory_space<hbm>>) dst(%arg5 : memref<16x32xi32, #tpu.memory_space<vmem>>)
      tpu.yield
    }) : () -> ()
    %dma_start3A = arith.constant 0 : i32
    %dma_start3A_3 = arith.constant 0 : i32
    %dma_start3A_4 = tpu.memref_slice %arg5[%dma_start3A, %dma_start3A_3] : memref<16x32xi32, #tpu.memory_space<vmem>> -> memref<1x32xi32, #tpu.memory_space<vmem>>
    %dma_start3A_5 = tpu.memref_squeeze %dma_start3A_4 : memref<1x32xi32, #tpu.memory_space<vmem>> -> memref<32xi32, #tpu.memory_space<vmem>>
    %dma_start3A_6 = arith.constant 0 : i32
    %dma_start3A_7 = arith.constant 0 : i32
    %dma_start3A_8 = tpu.memref_slice %arg3[%dma_start3A_6, %dma_start3A_7] : memref<4096x1024xf32, #tpu.memory_space<hbm>> -> memref<4096x1024xf32, #tpu.memory_space<hbm>>
    tpu.enqueue_indirect_dma source(%dma_start3A_8 : memref<4096x1024xf32, #tpu.memory_space<hbm>>) target(%arg6 : memref<32x1024xf32, #tpu.memory_space<vmem>>) offsets(%dma_start3A_5 : memref<32xi32, #tpu.memory_space<vmem>>) semaphore(%arg8 : memref<!tpu.dma_semaphore, #tpu.memory_space<semaphore_mem>>)
    %dma_start3A_9 = arith.constant 1 : i32
    %dma_start3A_10 = arith.constant 0 : i32
    %dma_start3A_11 = tpu.memref_slice %arg5[%dma_start3A_9, %dma_start3A_10] : memref<16x32xi32, #tpu.memory_space<vmem>> -> memref<1x32xi32, #tpu.memory_space<vmem>>
    %dma_start3A_12 = tpu.memref_squeeze %dma_start3A_11 : memref<1x32xi32, #tpu.memory_space<vmem>> -> memref<32xi32, #tpu.memory_space<vmem>>
    %dma_start3A_13 = arith.constant 0 : i32
    %dma_start3A_14 = arith.constant 0 : i32
    %dma_start3A_15 = tpu.memref_slice %arg3[%dma_start3A_13, %dma_start3A_14] : memref<4096x1024xf32, #tpu.memory_space<hbm>> -> memref<4096x1024xf32, #tpu.memory_space<hbm>>
    tpu.enqueue_indirect_dma source(%dma_start3A_15 : memref<4096x1024xf32, #tpu.memory_space<hbm>>) target(%arg7 : memref<32x1024xf32, #tpu.memory_space<vmem>>) offsets(%dma_start3A_12 : memref<32xi32, #tpu.memory_space<vmem>>) semaphore(%arg8 : memref<!tpu.dma_semaphore, #tpu.memory_space<semaphore_mem>>)
    %dma_wait3A = arith.constant 0 : i32
    %dma_wait3A_16 = arith.constant 0 : i32
    %dma_wait3A_17 = tpu.memref_slice %arg5[%dma_wait3A, %dma_wait3A_16] : memref<16x32xi32, #tpu.memory_space<vmem>> -> memref<1x32xi32, #tpu.memory_space<vmem>>
    %dma_wait3A_18 = tpu.memref_squeeze %dma_wait3A_17 : memref<1x32xi32, #tpu.memory_space<vmem>> -> memref<32xi32, #tpu.memory_space<vmem>>
    %dma_wait3A_19 = arith.constant 0 : i32
    %dma_wait3A_20 = arith.constant 0 : i32
    %dma_wait3A_21 = tpu.memref_slice %arg3[%dma_wait3A_19, %dma_wait3A_20] : memref<4096x1024xf32, #tpu.memory_space<hbm>> -> memref<4096x1024xf32, #tpu.memory_space<hbm>>
    tpu.wait_indirect_dma semaphore(%arg8 : memref<!tpu.dma_semaphore, #tpu.memory_space<semaphore_mem>>) src(%dma_wait3A_21 : memref<4096x1024xf32, #tpu.memory_space<hbm>>) dst(%arg6 : memref<32x1024xf32, #tpu.memory_space<vmem>>)
    %add3A_22 = arith.constant 0 : i32
    %add3A_23 = arith.addi %mul3A_2, %add3A_22 : i32
    %dma_start3A_24 = arith.constant 0 : i32
    %dma_start3A_25 = tpu.memref_slice %arg4[%add3A_23, %dma_start3A_24] : memref<16384x1024xf32, #tpu.memory_space<hbm>> -> memref<32x1024xf32, #tpu.memory_space<hbm>>
    %dma_start3A_26 = arith.constant 0 : i32
    %dma_start3A_27 = tpu.memref_slice %arg4[%add3A_23, %dma_start3A_26] : memref<16384x1024xf32, #tpu.memory_space<hbm>> -> memref<32x1024xf32, #tpu.memory_space<hbm>>
    tpu.enqueue_dma source(%arg6 : memref<32x1024xf32, #tpu.memory_space<vmem>>) target(%dma_start3A_27 : memref<32x1024xf32, #tpu.memory_space<hbm>>) target_semaphore(%arg9 : memref<!tpu.dma_semaphore, #tpu.memory_space<semaphore_mem>>)
    %dma_wait3A_28 = arith.constant 0 : i32
    %dma_wait3A_29 = tpu.memref_slice %arg4[%add3A_23, %dma_wait3A_28] : memref<16384x1024xf32, #tpu.memory_space<hbm>> -> memref<32x1024xf32, #tpu.memory_space<hbm>>
    %dma_wait3A_30 = arith.constant 0 : i32
    %dma_wait3A_31 = tpu.memref_slice %arg4[%add3A_23, %dma_wait3A_30] : memref<16384x1024xf32, #tpu.memory_space<hbm>> -> memref<32x1024xf32, #tpu.memory_space<hbm>>
    tpu.wait_dma2 semaphore(%arg9 : memref<!tpu.dma_semaphore, #tpu.memory_space<semaphore_mem>>) src(%arg6 : memref<32x1024xf32, #tpu.memory_space<vmem>>) dst(%dma_wait3A_31 : memref<32x1024xf32, #tpu.memory_space<hbm>>)
    %dma_start3A_32 = arith.constant 2 : i32
    %dma_start3A_33 = arith.constant 0 : i32
    %dma_start3A_34 = tpu.memref_slice %arg5[%dma_start3A_32, %dma_start3A_33] : memref<16x32xi32, #tpu.memory_space<vmem>> -> memref<1x32xi32, #tpu.memory_space<vmem>>
    %dma_start3A_35 = tpu.memref_squeeze %dma_start3A_34 : memref<1x32xi32, #tpu.memory_space<vmem>> -> memref<32xi32, #tpu.memory_space<vmem>>
    %dma_start3A_36 = arith.constant 0 : i32
    %dma_start3A_37 = arith.constant 0 : i32
    %dma_start3A_38 = tpu.memref_slice %arg3[%dma_start3A_36, %dma_start3A_37] : memref<4096x1024xf32, #tpu.memory_space<hbm>> -> memref<4096x1024xf32, #tpu.memory_space<hbm>>
    tpu.enqueue_indirect_dma source(%dma_start3A_38 : memref<4096x1024xf32, #tpu.memory_space<hbm>>) target(%arg6 : memref<32x1024xf32, #tpu.memory_space<vmem>>) offsets(%dma_start3A_35 : memref<32xi32, #tpu.memory_space<vmem>>) semaphore(%arg8 : memref<!tpu.dma_semaphore, #tpu.memory_space<semaphore_mem>>)
    %dma_wait3A_39 = arith.constant 1 : i32
    %dma_wait3A_40 = arith.constant 0 : i32
    %dma_wait3A_41 = tpu.memref_slice %arg5[%dma_wait3A_39, %dma_wait3A_40] : memref<16x32xi32, #tpu.memory_space<vmem>> -> memref<1x32xi32, #tpu.memory_space<vmem>>
    %dma_wait3A_42 = tpu.memref_squeeze %dma_wait3A_41 : memref<1x32xi32, #tpu.memory_space<vmem>> -> memref<32xi32, #tpu.memory_space<vmem>>
    %dma_wait3A_43 = arith.constant 0 : i32
    %dma_wait3A_44 = arith.constant 0 : i32
    %dma_wait3A_45 = tpu.memref_slice %arg3[%dma_wait3A_43, %dma_wait3A_44] : memref<4096x1024xf32, #tpu.memory_space<hbm>> -> memref<4096x1024xf32, #tpu.memory_space<hbm>>
    tpu.wait_indirect_dma semaphore(%arg8 : memref<!tpu.dma_semaphore, #tpu.memory_space<semaphore_mem>>) src(%dma_wait3A_45 : memref<4096x1024xf32, #tpu.memory_space<hbm>>) dst(%arg7 : memref<32x1024xf32, #tpu.memory_space<vmem>>)
    %add3A_46 = arith.constant 32 : i32
    %add3A_47 = arith.addi %mul3A_2, %add3A_46 : i32
    %dma_start3A_48 = arith.constant 0 : i32
    %dma_start3A_49 = tpu.memref_slice %arg4[%add3A_47, %dma_start3A_48] : memref<16384x1024xf32, #tpu.memory_space<hbm>> -> memref<32x1024xf32, #tpu.memory_space<hbm>>
    %dma_start3A_50 = arith.constant 0 : i32
    %dma_start3A_51 = tpu.memref_slice %arg4[%add3A_47, %dma_start3A_50] : memref<16384x1024xf32, #tpu.memory_space<hbm>> -> memref<32x1024xf32, #tpu.memory_space<hbm>>
    tpu.enqueue_dma source(%arg7 : memref<32x1024xf32, #tpu.memory_space<vmem>>) target(%dma_start3A_51 : memref<32x1024xf32, #tpu.memory_space<hbm>>) target_semaphore(%arg9 : memref<!tpu.dma_semaphore, #tpu.memory_space<semaphore_mem>>)
    %dma_wait3A_52 = arith.constant 0 : i32
    %dma_wait3A_53 = tpu.memref_slice %arg4[%add3A_47, %dma_wait3A_52] : memref<16384x1024xf32, #tpu.memory_space<hbm>> -> memref<32x1024xf32, #tpu.memory_space<hbm>>
    %dma_wait3A_54 = arith.constant 0 : i32
    %dma_wait3A_55 = tpu.memref_slice %arg4[%add3A_47, %dma_wait3A_54] : memref<16384x1024xf32, #tpu.memory_space<hbm>> -> memref<32x1024xf32, #tpu.memory_space<hbm>>
    tpu.wait_dma2 semaphore(%arg9 : memref<!tpu.dma_semaphore, #tpu.memory_space<semaphore_mem>>) src(%arg7 : memref<32x1024xf32, #tpu.memory_space<vmem>>) dst(%dma_wait3A_55 : memref<32x1024xf32, #tpu.memory_space<hbm>>)
    %dma_start3A_56 = arith.constant 3 : i32
    %dma_start3A_57 = arith.constant 0 : i32
    %dma_start3A_58 = tpu.memref_slice %arg5[%dma_start3A_56, %dma_start3A_57] : memref<16x32xi32, #tpu.memory_space<vmem>> -> memref<1x32xi32, #tpu.memory_space<vmem>>
    %dma_start3A_59 = tpu.memref_squeeze %dma_start3A_58 : memref<1x32xi32, #tpu.memory_space<vmem>> -> memref<32xi32, #tpu.memory_space<vmem>>
    %dma_start3A_60 = arith.constant 0 : i32
    %dma_start3A_61 = arith.constant 0 : i32
    %dma_start3A_62 = tpu.memref_slice %arg3[%dma_start3A_60, %dma_start3A_61] : memref<4096x1024xf32, #tpu.memory_space<hbm>> -> memref<4096x1024xf32, #tpu.memory_space<hbm>>
    tpu.enqueue_indirect_dma source(%dma_start3A_62 : memref<4096x1024xf32, #tpu.memory_space<hbm>>) target(%arg7 : memref<32x1024xf32, #tpu.memory_space<vmem>>) offsets(%dma_start3A_59 : memref<32xi32, #tpu.memory_space<vmem>>) semaphore(%arg8 : memref<!tpu.dma_semaphore, #tpu.memory_space<semaphore_mem>>)
    %dma_wait3A_63 = arith.constant 2 : i32
    %dma_wait3A_64 = arith.constant 0 : i32
    %dma_wait3A_65 = tpu.memref_slice %arg5[%dma_wait3A_63, %dma_wait3A_64] : memref<16x32xi32, #tpu.memory_space<vmem>> -> memref<1x32xi32, #tpu.memory_space<vmem>>
    %dma_wait3A_66 = tpu.memref_squeeze %dma_wait3A_65 : memref<1x32xi32, #tpu.memory_space<vmem>> -> memref<32xi32, #tpu.memory_space<vmem>>
    %dma_wait3A_67 = arith.constant 0 : i32
    %dma_wait3A_68 = arith.constant 0 : i32
    %dma_wait3A_69 = tpu.memref_slice %arg3[%dma_wait3A_67, %dma_wait3A_68] : memref<4096x1024xf32, #tpu.memory_space<hbm>> -> memref<4096x1024xf32, #tpu.memory_space<hbm>>
    tpu.wait_indirect_dma semaphore(%arg8 : memref<!tpu.dma_semaphore, #tpu.memory_space<semaphore_mem>>) src(%dma_wait3A_69 : memref<4096x1024xf32, #tpu.memory_space<hbm>>) dst(%arg6 : memref<32x1024xf32, #tpu.memory_space<vmem>>)
    %add3A_70 = arith.constant 64 : i32
    %add3A_71 = arith.addi %mul3A_2, %add3A_70 : i32
    %dma_start3A_72 = arith.constant 0 : i32
    %dma_start3A_73 = tpu.memref_slice %arg4[%add3A_71, %dma_start3A_72] : memref<16384x1024xf32, #tpu.memory_space<hbm>> -> memref<32x1024xf32, #tpu.memory_space<hbm>>
    %dma_start3A_74 = arith.constant 0 : i32
    %dma_start3A_75 = tpu.memref_slice %arg4[%add3A_71, %dma_start3A_74] : memref<16384x1024xf32, #tpu.memory_space<hbm>> -> memref<32x1024xf32, #tpu.memory_space<hbm>>
    tpu.enqueue_dma source(%arg6 : memref<32x1024xf32, #tpu.memory_space<vmem>>) target(%dma_start3A_75 : memref<32x1024xf32, #tpu.memory_space<hbm>>) target_semaphore(%arg9 : memref<!tpu.dma_semaphore, #tpu.memory_space<semaphore_mem>>)
    %dma_wait3A_76 = arith.constant 0 : i32
    %dma_wait3A_77 = tpu.memref_slice %arg4[%add3A_71, %dma_wait3A_76] : memref<16384x1024xf32, #tpu.memory_space<hbm>> -> memref<32x1024xf32, #tpu.memory_space<hbm>>
    %dma_wait3A_78 = arith.constant 0 : i32
    %dma_wait3A_79 = tpu.memref_slice %arg4[%add3A_71, %dma_wait3A_78] : memref<16384x1024xf32, #tpu.memory_space<hbm>> -> memref<32x1024xf32, #tpu.memory_space<hbm>>
    tpu.wait_dma2 semaphore(%arg9 : memref<!tpu.dma_semaphore, #tpu.memory_space<semaphore_mem>>) src(%arg6 : memref<32x1024xf32, #tpu.memory_space<vmem>>) dst(%dma_wait3A_79 : memref<32x1024xf32, #tpu.memory_space<hbm>>)
    %dma_start3A_80 = arith.constant 4 : i32
    %dma_start3A_81 = arith.constant 0 : i32
    %dma_start3A_82 = tpu.memref_slice %arg5[%dma_start3A_80, %dma_start3A_81] : memref<16x32xi32, #tpu.memory_space<vmem>> -> memref<1x32xi32, #tpu.memory_space<vmem>>
    %dma_start3A_83 = tpu.memref_squeeze %dma_start3A_82 : memref<1x32xi32, #tpu.memory_space<vmem>> -> memref<32xi32, #tpu.memory_space<vmem>>
    %dma_start3A_84 = arith.constant 0 : i32
    %dma_start3A_85 = arith.constant 0 : i32
    %dma_start3A_86 = tpu.memref_slice %arg3[%dma_start3A_84, %dma_start3A_85] : memref<4096x1024xf32, #tpu.memory_space<hbm>> -> memref<4096x1024xf32, #tpu.memory_space<hbm>>
    tpu.enqueue_indirect_dma source(%dma_start3A_86 : memref<4096x1024xf32, #tpu.memory_space<hbm>>) target(%arg6 : memref<32x1024xf32, #tpu.memory_space<vmem>>) offsets(%dma_start3A_83 : memref<32xi32, #tpu.memory_space<vmem>>) semaphore(%arg8 : memref<!tpu.dma_semaphore, #tpu.memory_space<semaphore_mem>>)
    %dma_wait3A_87 = arith.constant 3 : i32
    %dma_wait3A_88 = arith.constant 0 : i32
    %dma_wait3A_89 = tpu.memref_slice %arg5[%dma_wait3A_87, %dma_wait3A_88] : memref<16x32xi32, #tpu.memory_space<vmem>> -> memref<1x32xi32, #tpu.memory_space<vmem>>
    %dma_wait3A_90 = tpu.memref_squeeze %dma_wait3A_89 : memref<1x32xi32, #tpu.memory_space<vmem>> -> memref<32xi32, #tpu.memory_space<vmem>>
    %dma_wait3A_91 = arith.constant 0 : i32
    %dma_wait3A_92 = arith.constant 0 : i32
    %dma_wait3A_93 = tpu.memref_slice %arg3[%dma_wait3A_91, %dma_wait3A_92] : memref<4096x1024xf32, #tpu.memory_space<hbm>> -> memref<4096x1024xf32, #tpu.memory_space<hbm>>
    tpu.wait_indirect_dma semaphore(%arg8 : memref<!tpu.dma_semaphore, #tpu.memory_space<semaphore_mem>>) src(%dma_wait3A_93 : memref<4096x1024xf32, #tpu.memory_space<hbm>>) dst(%arg7 : memref<32x1024xf32, #tpu.memory_space<vmem>>)
    %add3A_94 = arith.constant 96 : i32
    %add3A_95 = arith.addi %mul3A_2, %add3A_94 : i32
    %dma_start3A_96 = arith.constant 0 : i32
    %dma_start3A_97 = tpu.memref_slice %arg4[%add3A_95, %dma_start3A_96] : memref<16384x1024xf32, #tpu.memory_space<hbm>> -> memref<32x1024xf32, #tpu.memory_space<hbm>>
    %dma_start3A_98 = arith.constant 0 : i32
    %dma_start3A_99 = tpu.memref_slice %arg4[%add3A_95, %dma_start3A_98] : memref<16384x1024xf32, #tpu.memory_space<hbm>> -> memref<32x1024xf32, #tpu.memory_space<hbm>>
    tpu.enqueue_dma source(%arg7 : memref<32x1024xf32, #tpu.memory_space<vmem>>) target(%dma_start3A_99 : memref<32x1024xf32, #tpu.memory_space<hbm>>) target_semaphore(%arg9 : memref<!tpu.dma_semaphore, #tpu.memory_space<semaphore_mem>>)
    %dma_wait3A_100 = arith.constant 0 : i32
    %dma_wait3A_101 = tpu.memref_slice %arg4[%add3A_95, %dma_wait3A_100] : memref<16384x1024xf32, #tpu.memory_space<hbm>> -> memref<32x1024xf32, #tpu.memory_space<hbm>>
    %dma_wait3A_102 = arith.constant 0 : i32
    %dma_wait3A_103 = tpu.memref_slice %arg4[%add3A_95, %dma_wait3A_102] : memref<16384x1024xf32, #tpu.memory_space<hbm>> -> memref<32x1024xf32, #tpu.memory_space<hbm>>
    tpu.wait_dma2 semaphore(%arg9 : memref<!tpu.dma_semaphore, #tpu.memory_space<semaphore_mem>>) src(%arg7 : memref<32x1024xf32, #tpu.memory_space<vmem>>) dst(%dma_wait3A_103 : memref<32x1024xf32, #tpu.memory_space<hbm>>)
    %dma_start3A_104 = arith.constant 5 : i32
    %dma_start3A_105 = arith.constant 0 : i32
    %dma_start3A_106 = tpu.memref_slice %arg5[%dma_start3A_104, %dma_start3A_105] : memref<16x32xi32, #tpu.memory_space<vmem>> -> memref<1x32xi32, #tpu.memory_space<vmem>>
    %dma_start3A_107 = tpu.memref_squeeze %dma_start3A_106 : memref<1x32xi32, #tpu.memory_space<vmem>> -> memref<32xi32, #tpu.memory_space<vmem>>
    %dma_start3A_108 = arith.constant 0 : i32
    %dma_start3A_109 = arith.constant 0 : i32
    %dma_start3A_110 = tpu.memref_slice %arg3[%dma_start3A_108, %dma_start3A_109] : memref<4096x1024xf32, #tpu.memory_space<hbm>> -> memref<4096x1024xf32, #tpu.memory_space<hbm>>
    tpu.enqueue_indirect_dma source(%dma_start3A_110 : memref<4096x1024xf32, #tpu.memory_space<hbm>>) target(%arg7 : memref<32x1024xf32, #tpu.memory_space<vmem>>) offsets(%dma_start3A_107 : memref<32xi32, #tpu.memory_space<vmem>>) semaphore(%arg8 : memref<!tpu.dma_semaphore, #tpu.memory_space<semaphore_mem>>)
    %dma_wait3A_111 = arith.constant 4 : i32
    %dma_wait3A_112 = arith.constant 0 : i32
    %dma_wait3A_113 = tpu.memref_slice %arg5[%dma_wait3A_111, %dma_wait3A_112] : memref<16x32xi32, #tpu.memory_space<vmem>> -> memref<1x32xi32, #tpu.memory_space<vmem>>
    %dma_wait3A_114 = tpu.memref_squeeze %dma_wait3A_113 : memref<1x32xi32, #tpu.memory_space<vmem>> -> memref<32xi32, #tpu.memory_space<vmem>>
    %dma_wait3A_115 = arith.constant 0 : i32
    %dma_wait3A_116 = arith.constant 0 : i32
    %dma_wait3A_117 = tpu.memref_slice %arg3[%dma_wait3A_115, %dma_wait3A_116] : memref<4096x1024xf32, #tpu.memory_space<hbm>> -> memref<4096x1024xf32, #tpu.memory_space<hbm>>
    tpu.wait_indirect_dma semaphore(%arg8 : memref<!tpu.dma_semaphore, #tpu.memory_space<semaphore_mem>>) src(%dma_wait3A_117 : memref<4096x1024xf32, #tpu.memory_space<hbm>>) dst(%arg6 : memref<32x1024xf32, #tpu.memory_space<vmem>>)
    %add3A_118 = arith.constant 128 : i32
    %add3A_119 = arith.addi %mul3A_2, %add3A_118 : i32
    %dma_start3A_120 = arith.constant 0 : i32
    %dma_start3A_121 = tpu.memref_slice %arg4[%add3A_119, %dma_start3A_120] : memref<16384x1024xf32, #tpu.memory_space<hbm>> -> memref<32x1024xf32, #tpu.memory_space<hbm>>
    %dma_start3A_122 = arith.constant 0 : i32
    %dma_start3A_123 = tpu.memref_slice %arg4[%add3A_119, %dma_start3A_122] : memref<16384x1024xf32, #tpu.memory_space<hbm>> -> memref<32x1024xf32, #tpu.memory_space<hbm>>
    tpu.enqueue_dma source(%arg6 : memref<32x1024xf32, #tpu.memory_space<vmem>>) target(%dma_start3A_123 : memref<32x1024xf32, #tpu.memory_space<hbm>>) target_semaphore(%arg9 : memref<!tpu.dma_semaphore, #tpu.memory_space<semaphore_mem>>)
    %dma_wait3A_124 = arith.constant 0 : i32
    %dma_wait3A_125 = tpu.memref_slice %arg4[%add3A_119, %dma_wait3A_124] : memref<16384x1024xf32, #tpu.memory_space<hbm>> -> memref<32x1024xf32, #tpu.memory_space<hbm>>
    %dma_wait3A_126 = arith.constant 0 : i32
    %dma_wait3A_127 = tpu.memref_slice %arg4[%add3A_119, %dma_wait3A_126] : memref<16384x1024xf32, #tpu.memory_space<hbm>> -> memref<32x1024xf32, #tpu.memory_space<hbm>>
    tpu.wait_dma2 semaphore(%arg9 : memref<!tpu.dma_semaphore, #tpu.memory_space<semaphore_mem>>) src(%arg6 : memref<32x1024xf32, #tpu.memory_space<vmem>>) dst(%dma_wait3A_127 : memref<32x1024xf32, #tpu.memory_space<hbm>>)
    %dma_start3A_128 = arith.constant 6 : i32
    %dma_start3A_129 = arith.constant 0 : i32
    %dma_start3A_130 = tpu.memref_slice %arg5[%dma_start3A_128, %dma_start3A_129] : memref<16x32xi32, #tpu.memory_space<vmem>> -> memref<1x32xi32, #tpu.memory_space<vmem>>
    %dma_start3A_131 = tpu.memref_squeeze %dma_start3A_130 : memref<1x32xi32, #tpu.memory_space<vmem>> -> memref<32xi32, #tpu.memory_space<vmem>>
    %dma_start3A_132 = arith.constant 0 : i32
    %dma_start3A_133 = arith.constant 0 : i32
    %dma_start3A_134 = tpu.memref_slice %arg3[%dma_start3A_132, %dma_start3A_133] : memref<4096x1024xf32, #tpu.memory_space<hbm>> -> memref<4096x1024xf32, #tpu.memory_space<hbm>>
    tpu.enqueue_indirect_dma source(%dma_start3A_134 : memref<4096x1024xf32, #tpu.memory_space<hbm>>) target(%arg6 : memref<32x1024xf32, #tpu.memory_space<vmem>>) offsets(%dma_start3A_131 : memref<32xi32, #tpu.memory_space<vmem>>) semaphore(%arg8 : memref<!tpu.dma_semaphore, #tpu.memory_space<semaphore_mem>>)
    %dma_wait3A_135 = arith.constant 5 : i32
    %dma_wait3A_136 = arith.constant 0 : i32
    %dma_wait3A_137 = tpu.memref_slice %arg5[%dma_wait3A_135, %dma_wait3A_136] : memref<16x32xi32, #tpu.memory_space<vmem>> -> memref<1x32xi32, #tpu.memory_space<vmem>>
    %dma_wait3A_138 = tpu.memref_squeeze %dma_wait3A_137 : memref<1x32xi32, #tpu.memory_space<vmem>> -> memref<32xi32, #tpu.memory_space<vmem>>
    %dma_wait3A_139 = arith.constant 0 : i32
    %dma_wait3A_140 = arith.constant 0 : i32
    %dma_wait3A_141 = tpu.memref_slice %arg3[%dma_wait3A_139, %dma_wait3A_140] : memref<4096x1024xf32, #tpu.memory_space<hbm>> -> memref<4096x1024xf32, #tpu.memory_space<hbm>>
    tpu.wait_indirect_dma semaphore(%arg8 : memref<!tpu.dma_semaphore, #tpu.memory_space<semaphore_mem>>) src(%dma_wait3A_141 : memref<4096x1024xf32, #tpu.memory_space<hbm>>) dst(%arg7 : memref<32x1024xf32, #tpu.memory_space<vmem>>)
    %add3A_142 = arith.constant 160 : i32
    %add3A_143 = arith.addi %mul3A_2, %add3A_142 : i32
    %dma_start3A_144 = arith.constant 0 : i32
    %dma_start3A_145 = tpu.memref_slice %arg4[%add3A_143, %dma_start3A_144] : memref<16384x1024xf32, #tpu.memory_space<hbm>> -> memref<32x1024xf32, #tpu.memory_space<hbm>>
    %dma_start3A_146 = arith.constant 0 : i32
    %dma_start3A_147 = tpu.memref_slice %arg4[%add3A_143, %dma_start3A_146] : memref<16384x1024xf32, #tpu.memory_space<hbm>> -> memref<32x1024xf32, #tpu.memory_space<hbm>>
    tpu.enqueue_dma source(%arg7 : memref<32x1024xf32, #tpu.memory_space<vmem>>) target(%dma_start3A_147 : memref<32x1024xf32, #tpu.memory_space<hbm>>) target_semaphore(%arg9 : memref<!tpu.dma_semaphore, #tpu.memory_space<semaphore_mem>>)
    %dma_wait3A_148 = arith.constant 0 : i32
    %dma_wait3A_149 = tpu.memref_slice %arg4[%add3A_143, %dma_wait3A_148] : memref<16384x1024xf32, #tpu.memory_space<hbm>> -> memref<32x1024xf32, #tpu.memory_space<hbm>>
    %dma_wait3A_150 = arith.constant 0 : i32
    %dma_wait3A_151 = tpu.memref_slice %arg4[%add3A_143, %dma_wait3A_150] : memref<16384x1024xf32, #tpu.memory_space<hbm>> -> memref<32x1024xf32, #tpu.memory_space<hbm>>
    tpu.wait_dma2 semaphore(%arg9 : memref<!tpu.dma_semaphore, #tpu.memory_space<semaphore_mem>>) src(%arg7 : memref<32x1024xf32, #tpu.memory_space<vmem>>) dst(%dma_wait3A_151 : memref<32x1024xf32, #tpu.memory_space<hbm>>)
    %dma_start3A_152 = arith.constant 7 : i32
    %dma_start3A_153 = arith.constant 0 : i32
    %dma_start3A_154 = tpu.memref_slice %arg5[%dma_start3A_152, %dma_start3A_153] : memref<16x32xi32, #tpu.memory_space<vmem>> -> memref<1x32xi32, #tpu.memory_space<vmem>>
    %dma_start3A_155 = tpu.memref_squeeze %dma_start3A_154 : memref<1x32xi32, #tpu.memory_space<vmem>> -> memref<32xi32, #tpu.memory_space<vmem>>
    %dma_start3A_156 = arith.constant 0 : i32
    %dma_start3A_157 = arith.constant 0 : i32
    %dma_start3A_158 = tpu.memref_slice %arg3[%dma_start3A_156, %dma_start3A_157] : memref<4096x1024xf32, #tpu.memory_space<hbm>> -> memref<4096x1024xf32, #tpu.memory_space<hbm>>
    tpu.enqueue_indirect_dma source(%dma_start3A_158 : memref<4096x1024xf32, #tpu.memory_space<hbm>>) target(%arg7 : memref<32x1024xf32, #tpu.memory_space<vmem>>) offsets(%dma_start3A_155 : memref<32xi32, #tpu.memory_space<vmem>>) semaphore(%arg8 : memref<!tpu.dma_semaphore, #tpu.memory_space<semaphore_mem>>)
    %dma_wait3A_159 = arith.constant 6 : i32
    %dma_wait3A_160 = arith.constant 0 : i32
    %dma_wait3A_161 = tpu.memref_slice %arg5[%dma_wait3A_159, %dma_wait3A_160] : memref<16x32xi32, #tpu.memory_space<vmem>> -> memref<1x32xi32, #tpu.memory_space<vmem>>
    %dma_wait3A_162 = tpu.memref_squeeze %dma_wait3A_161 : memref<1x32xi32, #tpu.memory_space<vmem>> -> memref<32xi32, #tpu.memory_space<vmem>>
    %dma_wait3A_163 = arith.constant 0 : i32
    %dma_wait3A_164 = arith.constant 0 : i32
    %dma_wait3A_165 = tpu.memref_slice %arg3[%dma_wait3A_163, %dma_wait3A_164] : memref<4096x1024xf32, #tpu.memory_space<hbm>> -> memref<4096x1024xf32, #tpu.memory_space<hbm>>
    tpu.wait_indirect_dma semaphore(%arg8 : memref<!tpu.dma_semaphore, #tpu.memory_space<semaphore_mem>>) src(%dma_wait3A_165 : memref<4096x1024xf32, #tpu.memory_space<hbm>>) dst(%arg6 : memref<32x1024xf32, #tpu.memory_space<vmem>>)
    %add3A_166 = arith.constant 192 : i32
    %add3A_167 = arith.addi %mul3A_2, %add3A_166 : i32
    %dma_start3A_168 = arith.constant 0 : i32
    %dma_start3A_169 = tpu.memref_slice %arg4[%add3A_167, %dma_start3A_168] : memref<16384x1024xf32, #tpu.memory_space<hbm>> -> memref<32x1024xf32, #tpu.memory_space<hbm>>
    %dma_start3A_170 = arith.constant 0 : i32
    %dma_start3A_171 = tpu.memref_slice %arg4[%add3A_167, %dma_start3A_170] : memref<16384x1024xf32, #tpu.memory_space<hbm>> -> memref<32x1024xf32, #tpu.memory_space<hbm>>
    tpu.enqueue_dma source(%arg6 : memref<32x1024xf32, #tpu.memory_space<vmem>>) target(%dma_start3A_171 : memref<32x1024xf32, #tpu.memory_space<hbm>>) target_semaphore(%arg9 : memref<!tpu.dma_semaphore, #tpu.memory_space<semaphore_mem>>)
    %dma_wait3A_172 = arith.constant 0 : i32
    %dma_wait3A_173 = tpu.memref_slice %arg4[%add3A_167, %dma_wait3A_172] : memref<16384x1024xf32, #tpu.memory_space<hbm>> -> memref<32x1024xf32, #tpu.memory_space<hbm>>
    %dma_wait3A_174 = arith.constant 0 : i32
    %dma_wait3A_175 = tpu.memref_slice %arg4[%add3A_167, %dma_wait3A_174] : memref<16384x1024xf32, #tpu.memory_space<hbm>> -> memref<32x1024xf32, #tpu.memory_space<hbm>>
    tpu.wait_dma2 semaphore(%arg9 : memref<!tpu.dma_semaphore, #tpu.memory_space<semaphore_mem>>) src(%arg6 : memref<32x1024xf32, #tpu.memory_space<vmem>>) dst(%dma_wait3A_175 : memref<32x1024xf32, #tpu.memory_space<hbm>>)
    %dma_start3A_176 = arith.constant 8 : i32
    %dma_start3A_177 = arith.constant 0 : i32
    %dma_start3A_178 = tpu.memref_slice %arg5[%dma_start3A_176, %dma_start3A_177] : memref<16x32xi32, #tpu.memory_space<vmem>> -> memref<1x32xi32, #tpu.memory_space<vmem>>
    %dma_start3A_179 = tpu.memref_squeeze %dma_start3A_178 : memref<1x32xi32, #tpu.memory_space<vmem>> -> memref<32xi32, #tpu.memory_space<vmem>>
    %dma_start3A_180 = arith.constant 0 : i32
    %dma_start3A_181 = arith.constant 0 : i32
    %dma_start3A_182 = tpu.memref_slice %arg3[%dma_start3A_180, %dma_start3A_181] : memref<4096x1024xf32, #tpu.memory_space<hbm>> -> memref<4096x1024xf32, #tpu.memory_space<hbm>>
    tpu.enqueue_indirect_dma source(%dma_start3A_182 : memref<4096x1024xf32, #tpu.memory_space<hbm>>) target(%arg6 : memref<32x1024xf32, #tpu.memory_space<vmem>>) offsets(%dma_start3A_179 : memref<32xi32, #tpu.memory_space<vmem>>) semaphore(%arg8 : memref<!tpu.dma_semaphore, #tpu.memory_space<semaphore_mem>>)
    %dma_wait3A_183 = arith.constant 7 : i32
    %dma_wait3A_184 = arith.constant 0 : i32
    %dma_wait3A_185 = tpu.memref_slice %arg5[%dma_wait3A_183, %dma_wait3A_184] : memref<16x32xi32, #tpu.memory_space<vmem>> -> memref<1x32xi32, #tpu.memory_space<vmem>>
    %dma_wait3A_186 = tpu.memref_squeeze %dma_wait3A_185 : memref<1x32xi32, #tpu.memory_space<vmem>> -> memref<32xi32, #tpu.memory_space<vmem>>
    %dma_wait3A_187 = arith.constant 0 : i32
    %dma_wait3A_188 = arith.constant 0 : i32
    %dma_wait3A_189 = tpu.memref_slice %arg3[%dma_wait3A_187, %dma_wait3A_188] : memref<4096x1024xf32, #tpu.memory_space<hbm>> -> memref<4096x1024xf32, #tpu.memory_space<hbm>>
    tpu.wait_indirect_dma semaphore(%arg8 : memref<!tpu.dma_semaphore, #tpu.memory_space<semaphore_mem>>) src(%dma_wait3A_189 : memref<4096x1024xf32, #tpu.memory_space<hbm>>) dst(%arg7 : memref<32x1024xf32, #tpu.memory_space<vmem>>)
    %add3A_190 = arith.constant 224 : i32
    %add3A_191 = arith.addi %mul3A_2, %add3A_190 : i32
    %dma_start3A_192 = arith.constant 0 : i32
    %dma_start3A_193 = tpu.memref_slice %arg4[%add3A_191, %dma_start3A_192] : memref<16384x1024xf32, #tpu.memory_space<hbm>> -> memref<32x1024xf32, #tpu.memory_space<hbm>>
    %dma_start3A_194 = arith.constant 0 : i32
    %dma_start3A_195 = tpu.memref_slice %arg4[%add3A_191, %dma_start3A_194] : memref<16384x1024xf32, #tpu.memory_space<hbm>> -> memref<32x1024xf32, #tpu.memory_space<hbm>>
    tpu.enqueue_dma source(%arg7 : memref<32x1024xf32, #tpu.memory_space<vmem>>) target(%dma_start3A_195 : memref<32x1024xf32, #tpu.memory_space<hbm>>) target_semaphore(%arg9 : memref<!tpu.dma_semaphore, #tpu.memory_space<semaphore_mem>>)
    %dma_wait3A_196 = arith.constant 0 : i32
    %dma_wait3A_197 = tpu.memref_slice %arg4[%add3A_191, %dma_wait3A_196] : memref<16384x1024xf32, #tpu.memory_space<hbm>> -> memref<32x1024xf32, #tpu.memory_space<hbm>>
    %dma_wait3A_198 = arith.constant 0 : i32
    %dma_wait3A_199 = tpu.memref_slice %arg4[%add3A_191, %dma_wait3A_198] : memref<16384x1024xf32, #tpu.memory_space<hbm>> -> memref<32x1024xf32, #tpu.memory_space<hbm>>
    tpu.wait_dma2 semaphore(%arg9 : memref<!tpu.dma_semaphore, #tpu.memory_space<semaphore_mem>>) src(%arg7 : memref<32x1024xf32, #tpu.memory_space<vmem>>) dst(%dma_wait3A_199 : memref<32x1024xf32, #tpu.memory_space<hbm>>)
    %dma_start3A_200 = arith.constant 9 : i32
    %dma_start3A_201 = arith.constant 0 : i32
    %dma_start3A_202 = tpu.memref_slice %arg5[%dma_start3A_200, %dma_start3A_201] : memref<16x32xi32, #tpu.memory_space<vmem>> -> memref<1x32xi32, #tpu.memory_space<vmem>>
    %dma_start3A_203 = tpu.memref_squeeze %dma_start3A_202 : memref<1x32xi32, #tpu.memory_space<vmem>> -> memref<32xi32, #tpu.memory_space<vmem>>
    %dma_start3A_204 = arith.constant 0 : i32
    %dma_start3A_205 = arith.constant 0 : i32
    %dma_start3A_206 = tpu.memref_slice %arg3[%dma_start3A_204, %dma_start3A_205] : memref<4096x1024xf32, #tpu.memory_space<hbm>> -> memref<4096x1024xf32, #tpu.memory_space<hbm>>
    tpu.enqueue_indirect_dma source(%dma_start3A_206 : memref<4096x1024xf32, #tpu.memory_space<hbm>>) target(%arg7 : memref<32x1024xf32, #tpu.memory_space<vmem>>) offsets(%dma_start3A_203 : memref<32xi32, #tpu.memory_space<vmem>>) semaphore(%arg8 : memref<!tpu.dma_semaphore, #tpu.memory_space<semaphore_mem>>)
    %dma_wait3A_207 = arith.constant 8 : i32
    %dma_wait3A_208 = arith.constant 0 : i32
    %dma_wait3A_209 = tpu.memref_slice %arg5[%dma_wait3A_207, %dma_wait3A_208] : memref<16x32xi32, #tpu.memory_space<vmem>> -> memref<1x32xi32, #tpu.memory_space<vmem>>
    %dma_wait3A_210 = tpu.memref_squeeze %dma_wait3A_209 : memref<1x32xi32, #tpu.memory_space<vmem>> -> memref<32xi32, #tpu.memory_space<vmem>>
    %dma_wait3A_211 = arith.constant 0 : i32
    %dma_wait3A_212 = arith.constant 0 : i32
    %dma_wait3A_213 = tpu.memref_slice %arg3[%dma_wait3A_211, %dma_wait3A_212] : memref<4096x1024xf32, #tpu.memory_space<hbm>> -> memref<4096x1024xf32, #tpu.memory_space<hbm>>
    tpu.wait_indirect_dma semaphore(%arg8 : memref<!tpu.dma_semaphore, #tpu.memory_space<semaphore_mem>>) src(%dma_wait3A_213 : memref<4096x1024xf32, #tpu.memory_space<hbm>>) dst(%arg6 : memref<32x1024xf32, #tpu.memory_space<vmem>>)
    %add3A_214 = arith.constant 256 : i32
    %add3A_215 = arith.addi %mul3A_2, %add3A_214 : i32
    %dma_start3A_216 = arith.constant 0 : i32
    %dma_start3A_217 = tpu.memref_slice %arg4[%add3A_215, %dma_start3A_216] : memref<16384x1024xf32, #tpu.memory_space<hbm>> -> memref<32x1024xf32, #tpu.memory_space<hbm>>
    %dma_start3A_218 = arith.constant 0 : i32
    %dma_start3A_219 = tpu.memref_slice %arg4[%add3A_215, %dma_start3A_218] : memref<16384x1024xf32, #tpu.memory_space<hbm>> -> memref<32x1024xf32, #tpu.memory_space<hbm>>
    tpu.enqueue_dma source(%arg6 : memref<32x1024xf32, #tpu.memory_space<vmem>>) target(%dma_start3A_219 : memref<32x1024xf32, #tpu.memory_space<hbm>>) target_semaphore(%arg9 : memref<!tpu.dma_semaphore, #tpu.memory_space<semaphore_mem>>)
    %dma_wait3A_220 = arith.constant 0 : i32
    %dma_wait3A_221 = tpu.memref_slice %arg4[%add3A_215, %dma_wait3A_220] : memref<16384x1024xf32, #tpu.memory_space<hbm>> -> memref<32x1024xf32, #tpu.memory_space<hbm>>
    %dma_wait3A_222 = arith.constant 0 : i32
    %dma_wait3A_223 = tpu.memref_slice %arg4[%add3A_215, %dma_wait3A_222] : memref<16384x1024xf32, #tpu.memory_space<hbm>> -> memref<32x1024xf32, #tpu.memory_space<hbm>>
    tpu.wait_dma2 semaphore(%arg9 : memref<!tpu.dma_semaphore, #tpu.memory_space<semaphore_mem>>) src(%arg6 : memref<32x1024xf32, #tpu.memory_space<vmem>>) dst(%dma_wait3A_223 : memref<32x1024xf32, #tpu.memory_space<hbm>>)
    %dma_start3A_224 = arith.constant 10 : i32
    %dma_start3A_225 = arith.constant 0 : i32
    %dma_start3A_226 = tpu.memref_slice %arg5[%dma_start3A_224, %dma_start3A_225] : memref<16x32xi32, #tpu.memory_space<vmem>> -> memref<1x32xi32, #tpu.memory_space<vmem>>
    %dma_start3A_227 = tpu.memref_squeeze %dma_start3A_226 : memref<1x32xi32, #tpu.memory_space<vmem>> -> memref<32xi32, #tpu.memory_space<vmem>>
    %dma_start3A_228 = arith.constant 0 : i32
    %dma_start3A_229 = arith.constant 0 : i32
    %dma_start3A_230 = tpu.memref_slice %arg3[%dma_start3A_228, %dma_start3A_229] : memref<4096x1024xf32, #tpu.memory_space<hbm>> -> memref<4096x1024xf32, #tpu.memory_space<hbm>>
    tpu.enqueue_indirect_dma source(%dma_start3A_230 : memref<4096x1024xf32, #tpu.memory_space<hbm>>) target(%arg6 : memref<32x1024xf32, #tpu.memory_space<vmem>>) offsets(%dma_start3A_227 : memref<32xi32, #tpu.memory_space<vmem>>) semaphore(%arg8 : memref<!tpu.dma_semaphore, #tpu.memory_space<semaphore_mem>>)
    %dma_wait3A_231 = arith.constant 9 : i32
    %dma_wait3A_232 = arith.constant 0 : i32
    %dma_wait3A_233 = tpu.memref_slice %arg5[%dma_wait3A_231, %dma_wait3A_232] : memref<16x32xi32, #tpu.memory_space<vmem>> -> memref<1x32xi32, #tpu.memory_space<vmem>>
    %dma_wait3A_234 = tpu.memref_squeeze %dma_wait3A_233 : memref<1x32xi32, #tpu.memory_space<vmem>> -> memref<32xi32, #tpu.memory_space<vmem>>
    %dma_wait3A_235 = arith.constant 0 : i32
    %dma_wait3A_236 = arith.constant 0 : i32
    %dma_wait3A_237 = tpu.memref_slice %arg3[%dma_wait3A_235, %dma_wait3A_236] : memref<4096x1024xf32, #tpu.memory_space<hbm>> -> memref<4096x1024xf32, #tpu.memory_space<hbm>>
    tpu.wait_indirect_dma semaphore(%arg8 : memref<!tpu.dma_semaphore, #tpu.memory_space<semaphore_mem>>) src(%dma_wait3A_237 : memref<4096x1024xf32, #tpu.memory_space<hbm>>) dst(%arg7 : memref<32x1024xf32, #tpu.memory_space<vmem>>)
    %add3A_238 = arith.constant 288 : i32
    %add3A_239 = arith.addi %mul3A_2, %add3A_238 : i32
    %dma_start3A_240 = arith.constant 0 : i32
    %dma_start3A_241 = tpu.memref_slice %arg4[%add3A_239, %dma_start3A_240] : memref<16384x1024xf32, #tpu.memory_space<hbm>> -> memref<32x1024xf32, #tpu.memory_space<hbm>>
    %dma_start3A_242 = arith.constant 0 : i32
    %dma_start3A_243 = tpu.memref_slice %arg4[%add3A_239, %dma_start3A_242] : memref<16384x1024xf32, #tpu.memory_space<hbm>> -> memref<32x1024xf32, #tpu.memory_space<hbm>>
    tpu.enqueue_dma source(%arg7 : memref<32x1024xf32, #tpu.memory_space<vmem>>) target(%dma_start3A_243 : memref<32x1024xf32, #tpu.memory_space<hbm>>) target_semaphore(%arg9 : memref<!tpu.dma_semaphore, #tpu.memory_space<semaphore_mem>>)
    %dma_wait3A_244 = arith.constant 0 : i32
    %dma_wait3A_245 = tpu.memref_slice %arg4[%add3A_239, %dma_wait3A_244] : memref<16384x1024xf32, #tpu.memory_space<hbm>> -> memref<32x1024xf32, #tpu.memory_space<hbm>>
    %dma_wait3A_246 = arith.constant 0 : i32
    %dma_wait3A_247 = tpu.memref_slice %arg4[%add3A_239, %dma_wait3A_246] : memref<16384x1024xf32, #tpu.memory_space<hbm>> -> memref<32x1024xf32, #tpu.memory_space<hbm>>
    tpu.wait_dma2 semaphore(%arg9 : memref<!tpu.dma_semaphore, #tpu.memory_space<semaphore_mem>>) src(%arg7 : memref<32x1024xf32, #tpu.memory_space<vmem>>) dst(%dma_wait3A_247 : memref<32x1024xf32, #tpu.memory_space<hbm>>)
    %dma_start3A_248 = arith.constant 11 : i32
    %dma_start3A_249 = arith.constant 0 : i32
    %dma_start3A_250 = tpu.memref_slice %arg5[%dma_start3A_248, %dma_start3A_249] : memref<16x32xi32, #tpu.memory_space<vmem>> -> memref<1x32xi32, #tpu.memory_space<vmem>>
    %dma_start3A_251 = tpu.memref_squeeze %dma_start3A_250 : memref<1x32xi32, #tpu.memory_space<vmem>> -> memref<32xi32, #tpu.memory_space<vmem>>
    %dma_start3A_252 = arith.constant 0 : i32
    %dma_start3A_253 = arith.constant 0 : i32
    %dma_start3A_254 = tpu.memref_slice %arg3[%dma_start3A_252, %dma_start3A_253] : memref<4096x1024xf32, #tpu.memory_space<hbm>> -> memref<4096x1024xf32, #tpu.memory_space<hbm>>
    tpu.enqueue_indirect_dma source(%dma_start3A_254 : memref<4096x1024xf32, #tpu.memory_space<hbm>>) target(%arg7 : memref<32x1024xf32, #tpu.memory_space<vmem>>) offsets(%dma_start3A_251 : memref<32xi32, #tpu.memory_space<vmem>>) semaphore(%arg8 : memref<!tpu.dma_semaphore, #tpu.memory_space<semaphore_mem>>)
    %dma_wait3A_255 = arith.constant 10 : i32
    %dma_wait3A_256 = arith.constant 0 : i32
    %dma_wait3A_257 = tpu.memref_slice %arg5[%dma_wait3A_255, %dma_wait3A_256] : memref<16x32xi32, #tpu.memory_space<vmem>> -> memref<1x32xi32, #tpu.memory_space<vmem>>
    %dma_wait3A_258 = tpu.memref_squeeze %dma_wait3A_257 : memref<1x32xi32, #tpu.memory_space<vmem>> -> memref<32xi32, #tpu.memory_space<vmem>>
    %dma_wait3A_259 = arith.constant 0 : i32
    %dma_wait3A_260 = arith.constant 0 : i32
    %dma_wait3A_261 = tpu.memref_slice %arg3[%dma_wait3A_259, %dma_wait3A_260] : memref<4096x1024xf32, #tpu.memory_space<hbm>> -> memref<4096x1024xf32, #tpu.memory_space<hbm>>
    tpu.wait_indirect_dma semaphore(%arg8 : memref<!tpu.dma_semaphore, #tpu.memory_space<semaphore_mem>>) src(%dma_wait3A_261 : memref<4096x1024xf32, #tpu.memory_space<hbm>>) dst(%arg6 : memref<32x1024xf32, #tpu.memory_space<vmem>>)
    %add3A_262 = arith.constant 320 : i32
    %add3A_263 = arith.addi %mul3A_2, %add3A_262 : i32
    %dma_start3A_264 = arith.constant 0 : i32
    %dma_start3A_265 = tpu.memref_slice %arg4[%add3A_263, %dma_start3A_264] : memref<16384x1024xf32, #tpu.memory_space<hbm>> -> memref<32x1024xf32, #tpu.memory_space<hbm>>
    %dma_start3A_266 = arith.constant 0 : i32
    %dma_start3A_267 = tpu.memref_slice %arg4[%add3A_263, %dma_start3A_266] : memref<16384x1024xf32, #tpu.memory_space<hbm>> -> memref<32x1024xf32, #tpu.memory_space<hbm>>
    tpu.enqueue_dma source(%arg6 : memref<32x1024xf32, #tpu.memory_space<vmem>>) target(%dma_start3A_267 : memref<32x1024xf32, #tpu.memory_space<hbm>>) target_semaphore(%arg9 : memref<!tpu.dma_semaphore, #tpu.memory_space<semaphore_mem>>)
    %dma_wait3A_268 = arith.constant 0 : i32
    %dma_wait3A_269 = tpu.memref_slice %arg4[%add3A_263, %dma_wait3A_268] : memref<16384x1024xf32, #tpu.memory_space<hbm>> -> memref<32x1024xf32, #tpu.memory_space<hbm>>
    %dma_wait3A_270 = arith.constant 0 : i32
    %dma_wait3A_271 = tpu.memref_slice %arg4[%add3A_263, %dma_wait3A_270] : memref<16384x1024xf32, #tpu.memory_space<hbm>> -> memref<32x1024xf32, #tpu.memory_space<hbm>>
    tpu.wait_dma2 semaphore(%arg9 : memref<!tpu.dma_semaphore, #tpu.memory_space<semaphore_mem>>) src(%arg6 : memref<32x1024xf32, #tpu.memory_space<vmem>>) dst(%dma_wait3A_271 : memref<32x1024xf32, #tpu.memory_space<hbm>>)
    %dma_start3A_272 = arith.constant 12 : i32
    %dma_start3A_273 = arith.constant 0 : i32
    %dma_start3A_274 = tpu.memref_slice %arg5[%dma_start3A_272, %dma_start3A_273] : memref<16x32xi32, #tpu.memory_space<vmem>> -> memref<1x32xi32, #tpu.memory_space<vmem>>
    %dma_start3A_275 = tpu.memref_squeeze %dma_start3A_274 : memref<1x32xi32, #tpu.memory_space<vmem>> -> memref<32xi32, #tpu.memory_space<vmem>>
    %dma_start3A_276 = arith.constant 0 : i32
    %dma_start3A_277 = arith.constant 0 : i32
    %dma_start3A_278 = tpu.memref_slice %arg3[%dma_start3A_276, %dma_start3A_277] : memref<4096x1024xf32, #tpu.memory_space<hbm>> -> memref<4096x1024xf32, #tpu.memory_space<hbm>>
    tpu.enqueue_indirect_dma source(%dma_start3A_278 : memref<4096x1024xf32, #tpu.memory_space<hbm>>) target(%arg6 : memref<32x1024xf32, #tpu.memory_space<vmem>>) offsets(%dma_start3A_275 : memref<32xi32, #tpu.memory_space<vmem>>) semaphore(%arg8 : memref<!tpu.dma_semaphore, #tpu.memory_space<semaphore_mem>>)
    %dma_wait3A_279 = arith.constant 11 : i32
    %dma_wait3A_280 = arith.constant 0 : i32
    %dma_wait3A_281 = tpu.memref_slice %arg5[%dma_wait3A_279, %dma_wait3A_280] : memref<16x32xi32, #tpu.memory_space<vmem>> -> memref<1x32xi32, #tpu.memory_space<vmem>>
    %dma_wait3A_282 = tpu.memref_squeeze %dma_wait3A_281 : memref<1x32xi32, #tpu.memory_space<vmem>> -> memref<32xi32, #tpu.memory_space<vmem>>
    %dma_wait3A_283 = arith.constant 0 : i32
    %dma_wait3A_284 = arith.constant 0 : i32
    %dma_wait3A_285 = tpu.memref_slice %arg3[%dma_wait3A_283, %dma_wait3A_284] : memref<4096x1024xf32, #tpu.memory_space<hbm>> -> memref<4096x1024xf32, #tpu.memory_space<hbm>>
    tpu.wait_indirect_dma semaphore(%arg8 : memref<!tpu.dma_semaphore, #tpu.memory_space<semaphore_mem>>) src(%dma_wait3A_285 : memref<4096x1024xf32, #tpu.memory_space<hbm>>) dst(%arg7 : memref<32x1024xf32, #tpu.memory_space<vmem>>)
    %add3A_286 = arith.constant 352 : i32
    %add3A_287 = arith.addi %mul3A_2, %add3A_286 : i32
    %dma_start3A_288 = arith.constant 0 : i32
    %dma_start3A_289 = tpu.memref_slice %arg4[%add3A_287, %dma_start3A_288] : memref<16384x1024xf32, #tpu.memory_space<hbm>> -> memref<32x1024xf32, #tpu.memory_space<hbm>>
    %dma_start3A_290 = arith.constant 0 : i32
    %dma_start3A_291 = tpu.memref_slice %arg4[%add3A_287, %dma_start3A_290] : memref<16384x1024xf32, #tpu.memory_space<hbm>> -> memref<32x1024xf32, #tpu.memory_space<hbm>>
    tpu.enqueue_dma source(%arg7 : memref<32x1024xf32, #tpu.memory_space<vmem>>) target(%dma_start3A_291 : memref<32x1024xf32, #tpu.memory_space<hbm>>) target_semaphore(%arg9 : memref<!tpu.dma_semaphore, #tpu.memory_space<semaphore_mem>>)
    %dma_wait3A_292 = arith.constant 0 : i32
    %dma_wait3A_293 = tpu.memref_slice %arg4[%add3A_287, %dma_wait3A_292] : memref<16384x1024xf32, #tpu.memory_space<hbm>> -> memref<32x1024xf32, #tpu.memory_space<hbm>>
    %dma_wait3A_294 = arith.constant 0 : i32
    %dma_wait3A_295 = tpu.memref_slice %arg4[%add3A_287, %dma_wait3A_294] : memref<16384x1024xf32, #tpu.memory_space<hbm>> -> memref<32x1024xf32, #tpu.memory_space<hbm>>
    tpu.wait_dma2 semaphore(%arg9 : memref<!tpu.dma_semaphore, #tpu.memory_space<semaphore_mem>>) src(%arg7 : memref<32x1024xf32, #tpu.memory_space<vmem>>) dst(%dma_wait3A_295 : memref<32x1024xf32, #tpu.memory_space<hbm>>)
    %dma_start3A_296 = arith.constant 13 : i32
    %dma_start3A_297 = arith.constant 0 : i32
    %dma_start3A_298 = tpu.memref_slice %arg5[%dma_start3A_296, %dma_start3A_297] : memref<16x32xi32, #tpu.memory_space<vmem>> -> memref<1x32xi32, #tpu.memory_space<vmem>>
    %dma_start3A_299 = tpu.memref_squeeze %dma_start3A_298 : memref<1x32xi32, #tpu.memory_space<vmem>> -> memref<32xi32, #tpu.memory_space<vmem>>
    %dma_start3A_300 = arith.constant 0 : i32
    %dma_start3A_301 = arith.constant 0 : i32
    %dma_start3A_302 = tpu.memref_slice %arg3[%dma_start3A_300, %dma_start3A_301] : memref<4096x1024xf32, #tpu.memory_space<hbm>> -> memref<4096x1024xf32, #tpu.memory_space<hbm>>
    tpu.enqueue_indirect_dma source(%dma_start3A_302 : memref<4096x1024xf32, #tpu.memory_space<hbm>>) target(%arg7 : memref<32x1024xf32, #tpu.memory_space<vmem>>) offsets(%dma_start3A_299 : memref<32xi32, #tpu.memory_space<vmem>>) semaphore(%arg8 : memref<!tpu.dma_semaphore, #tpu.memory_space<semaphore_mem>>)
    %dma_wait3A_303 = arith.constant 12 : i32
    %dma_wait3A_304 = arith.constant 0 : i32
    %dma_wait3A_305 = tpu.memref_slice %arg5[%dma_wait3A_303, %dma_wait3A_304] : memref<16x32xi32, #tpu.memory_space<vmem>> -> memref<1x32xi32, #tpu.memory_space<vmem>>
    %dma_wait3A_306 = tpu.memref_squeeze %dma_wait3A_305 : memref<1x32xi32, #tpu.memory_space<vmem>> -> memref<32xi32, #tpu.memory_space<vmem>>
    %dma_wait3A_307 = arith.constant 0 : i32
    %dma_wait3A_308 = arith.constant 0 : i32
    %dma_wait3A_309 = tpu.memref_slice %arg3[%dma_wait3A_307, %dma_wait3A_308] : memref<4096x1024xf32, #tpu.memory_space<hbm>> -> memref<4096x1024xf32, #tpu.memory_space<hbm>>
    tpu.wait_indirect_dma semaphore(%arg8 : memref<!tpu.dma_semaphore, #tpu.memory_space<semaphore_mem>>) src(%dma_wait3A_309 : memref<4096x1024xf32, #tpu.memory_space<hbm>>) dst(%arg6 : memref<32x1024xf32, #tpu.memory_space<vmem>>)
    %add3A_310 = arith.constant 384 : i32
    %add3A_311 = arith.addi %mul3A_2, %add3A_310 : i32
    %dma_start3A_312 = arith.constant 0 : i32
    %dma_start3A_313 = tpu.memref_slice %arg4[%add3A_311, %dma_start3A_312] : memref<16384x1024xf32, #tpu.memory_space<hbm>> -> memref<32x1024xf32, #tpu.memory_space<hbm>>
    %dma_start3A_314 = arith.constant 0 : i32
    %dma_start3A_315 = tpu.memref_slice %arg4[%add3A_311, %dma_start3A_314] : memref<16384x1024xf32, #tpu.memory_space<hbm>> -> memref<32x1024xf32, #tpu.memory_space<hbm>>
    tpu.enqueue_dma source(%arg6 : memref<32x1024xf32, #tpu.memory_space<vmem>>) target(%dma_start3A_315 : memref<32x1024xf32, #tpu.memory_space<hbm>>) target_semaphore(%arg9 : memref<!tpu.dma_semaphore, #tpu.memory_space<semaphore_mem>>)
    %dma_wait3A_316 = arith.constant 0 : i32
    %dma_wait3A_317 = tpu.memref_slice %arg4[%add3A_311, %dma_wait3A_316] : memref<16384x1024xf32, #tpu.memory_space<hbm>> -> memref<32x1024xf32, #tpu.memory_space<hbm>>
    %dma_wait3A_318 = arith.constant 0 : i32
    %dma_wait3A_319 = tpu.memref_slice %arg4[%add3A_311, %dma_wait3A_318] : memref<16384x1024xf32, #tpu.memory_space<hbm>> -> memref<32x1024xf32, #tpu.memory_space<hbm>>
    tpu.wait_dma2 semaphore(%arg9 : memref<!tpu.dma_semaphore, #tpu.memory_space<semaphore_mem>>) src(%arg6 : memref<32x1024xf32, #tpu.memory_space<vmem>>) dst(%dma_wait3A_319 : memref<32x1024xf32, #tpu.memory_space<hbm>>)
    %dma_start3A_320 = arith.constant 14 : i32
    %dma_start3A_321 = arith.constant 0 : i32
    %dma_start3A_322 = tpu.memref_slice %arg5[%dma_start3A_320, %dma_start3A_321] : memref<16x32xi32, #tpu.memory_space<vmem>> -> memref<1x32xi32, #tpu.memory_space<vmem>>
    %dma_start3A_323 = tpu.memref_squeeze %dma_start3A_322 : memref<1x32xi32, #tpu.memory_space<vmem>> -> memref<32xi32, #tpu.memory_space<vmem>>
    %dma_start3A_324 = arith.constant 0 : i32
    %dma_start3A_325 = arith.constant 0 : i32
    %dma_start3A_326 = tpu.memref_slice %arg3[%dma_start3A_324, %dma_start3A_325] : memref<4096x1024xf32, #tpu.memory_space<hbm>> -> memref<4096x1024xf32, #tpu.memory_space<hbm>>
    tpu.enqueue_indirect_dma source(%dma_start3A_326 : memref<4096x1024xf32, #tpu.memory_space<hbm>>) target(%arg6 : memref<32x1024xf32, #tpu.memory_space<vmem>>) offsets(%dma_start3A_323 : memref<32xi32, #tpu.memory_space<vmem>>) semaphore(%arg8 : memref<!tpu.dma_semaphore, #tpu.memory_space<semaphore_mem>>)
    %dma_wait3A_327 = arith.constant 13 : i32
    %dma_wait3A_328 = arith.constant 0 : i32
    %dma_wait3A_329 = tpu.memref_slice %arg5[%dma_wait3A_327, %dma_wait3A_328] : memref<16x32xi32, #tpu.memory_space<vmem>> -> memref<1x32xi32, #tpu.memory_space<vmem>>
    %dma_wait3A_330 = tpu.memref_squeeze %dma_wait3A_329 : memref<1x32xi32, #tpu.memory_space<vmem>> -> memref<32xi32, #tpu.memory_space<vmem>>
    %dma_wait3A_331 = arith.constant 0 : i32
    %dma_wait3A_332 = arith.constant 0 : i32
    %dma_wait3A_333 = tpu.memref_slice %arg3[%dma_wait3A_331, %dma_wait3A_332] : memref<4096x1024xf32, #tpu.memory_space<hbm>> -> memref<4096x1024xf32, #tpu.memory_space<hbm>>
    tpu.wait_indirect_dma semaphore(%arg8 : memref<!tpu.dma_semaphore, #tpu.memory_space<semaphore_mem>>) src(%dma_wait3A_333 : memref<4096x1024xf32, #tpu.memory_space<hbm>>) dst(%arg7 : memref<32x1024xf32, #tpu.memory_space<vmem>>)
    %add3A_334 = arith.constant 416 : i32
    %add3A_335 = arith.addi %mul3A_2, %add3A_334 : i32
    %dma_start3A_336 = arith.constant 0 : i32
    %dma_start3A_337 = tpu.memref_slice %arg4[%add3A_335, %dma_start3A_336] : memref<16384x1024xf32, #tpu.memory_space<hbm>> -> memref<32x1024xf32, #tpu.memory_space<hbm>>
    %dma_start3A_338 = arith.constant 0 : i32
    %dma_start3A_339 = tpu.memref_slice %arg4[%add3A_335, %dma_start3A_338] : memref<16384x1024xf32, #tpu.memory_space<hbm>> -> memref<32x1024xf32, #tpu.memory_space<hbm>>
    tpu.enqueue_dma source(%arg7 : memref<32x1024xf32, #tpu.memory_space<vmem>>) target(%dma_start3A_339 : memref<32x1024xf32, #tpu.memory_space<hbm>>) target_semaphore(%arg9 : memref<!tpu.dma_semaphore, #tpu.memory_space<semaphore_mem>>)
    %dma_wait3A_340 = arith.constant 0 : i32
    %dma_wait3A_341 = tpu.memref_slice %arg4[%add3A_335, %dma_wait3A_340] : memref<16384x1024xf32, #tpu.memory_space<hbm>> -> memref<32x1024xf32, #tpu.memory_space<hbm>>
    %dma_wait3A_342 = arith.constant 0 : i32
    %dma_wait3A_343 = tpu.memref_slice %arg4[%add3A_335, %dma_wait3A_342] : memref<16384x1024xf32, #tpu.memory_space<hbm>> -> memref<32x1024xf32, #tpu.memory_space<hbm>>
    tpu.wait_dma2 semaphore(%arg9 : memref<!tpu.dma_semaphore, #tpu.memory_space<semaphore_mem>>) src(%arg7 : memref<32x1024xf32, #tpu.memory_space<vmem>>) dst(%dma_wait3A_343 : memref<32x1024xf32, #tpu.memory_space<hbm>>)
    %dma_start3A_344 = arith.constant 15 : i32
    %dma_start3A_345 = arith.constant 0 : i32
    %dma_start3A_346 = tpu.memref_slice %arg5[%dma_start3A_344, %dma_start3A_345] : memref<16x32xi32, #tpu.memory_space<vmem>> -> memref<1x32xi32, #tpu.memory_space<vmem>>
    %dma_start3A_347 = tpu.memref_squeeze %dma_start3A_346 : memref<1x32xi32, #tpu.memory_space<vmem>> -> memref<32xi32, #tpu.memory_space<vmem>>
    %dma_start3A_348 = arith.constant 0 : i32
    %dma_start3A_349 = arith.constant 0 : i32
    %dma_start3A_350 = tpu.memref_slice %arg3[%dma_start3A_348, %dma_start3A_349] : memref<4096x1024xf32, #tpu.memory_space<hbm>> -> memref<4096x1024xf32, #tpu.memory_space<hbm>>
    tpu.enqueue_indirect_dma source(%dma_start3A_350 : memref<4096x1024xf32, #tpu.memory_space<hbm>>) target(%arg7 : memref<32x1024xf32, #tpu.memory_space<vmem>>) offsets(%dma_start3A_347 : memref<32xi32, #tpu.memory_space<vmem>>) semaphore(%arg8 : memref<!tpu.dma_semaphore, #tpu.memory_space<semaphore_mem>>)
    %dma_wait3A_351 = arith.constant 14 : i32
    %dma_wait3A_352 = arith.constant 0 : i32
    %dma_wait3A_353 = tpu.memref_slice %arg5[%dma_wait3A_351, %dma_wait3A_352] : memref<16x32xi32, #tpu.memory_space<vmem>> -> memref<1x32xi32, #tpu.memory_space<vmem>>
    %dma_wait3A_354 = tpu.memref_squeeze %dma_wait3A_353 : memref<1x32xi32, #tpu.memory_space<vmem>> -> memref<32xi32, #tpu.memory_space<vmem>>
    %dma_wait3A_355 = arith.constant 0 : i32
    %dma_wait3A_356 = arith.constant 0 : i32
    %dma_wait3A_357 = tpu.memref_slice %arg3[%dma_wait3A_355, %dma_wait3A_356] : memref<4096x1024xf32, #tpu.memory_space<hbm>> -> memref<4096x1024xf32, #tpu.memory_space<hbm>>
    tpu.wait_indirect_dma semaphore(%arg8 : memref<!tpu.dma_semaphore, #tpu.memory_space<semaphore_mem>>) src(%dma_wait3A_357 : memref<4096x1024xf32, #tpu.memory_space<hbm>>) dst(%arg6 : memref<32x1024xf32, #tpu.memory_space<vmem>>)
    %add3A_358 = arith.constant 448 : i32
    %add3A_359 = arith.addi %mul3A_2, %add3A_358 : i32
    %dma_start3A_360 = arith.constant 0 : i32
    %dma_start3A_361 = tpu.memref_slice %arg4[%add3A_359, %dma_start3A_360] : memref<16384x1024xf32, #tpu.memory_space<hbm>> -> memref<32x1024xf32, #tpu.memory_space<hbm>>
    %dma_start3A_362 = arith.constant 0 : i32
    %dma_start3A_363 = tpu.memref_slice %arg4[%add3A_359, %dma_start3A_362] : memref<16384x1024xf32, #tpu.memory_space<hbm>> -> memref<32x1024xf32, #tpu.memory_space<hbm>>
    tpu.enqueue_dma source(%arg6 : memref<32x1024xf32, #tpu.memory_space<vmem>>) target(%dma_start3A_363 : memref<32x1024xf32, #tpu.memory_space<hbm>>) target_semaphore(%arg9 : memref<!tpu.dma_semaphore, #tpu.memory_space<semaphore_mem>>)
    %dma_wait3A_364 = arith.constant 15 : i32
    %dma_wait3A_365 = arith.constant 0 : i32
    %dma_wait3A_366 = tpu.memref_slice %arg5[%dma_wait3A_364, %dma_wait3A_365] : memref<16x32xi32, #tpu.memory_space<vmem>> -> memref<1x32xi32, #tpu.memory_space<vmem>>
    %dma_wait3A_367 = tpu.memref_squeeze %dma_wait3A_366 : memref<1x32xi32, #tpu.memory_space<vmem>> -> memref<32xi32, #tpu.memory_space<vmem>>
    %dma_wait3A_368 = arith.constant 0 : i32
    %dma_wait3A_369 = arith.constant 0 : i32
    %dma_wait3A_370 = tpu.memref_slice %arg3[%dma_wait3A_368, %dma_wait3A_369] : memref<4096x1024xf32, #tpu.memory_space<hbm>> -> memref<4096x1024xf32, #tpu.memory_space<hbm>>
    tpu.wait_indirect_dma semaphore(%arg8 : memref<!tpu.dma_semaphore, #tpu.memory_space<semaphore_mem>>) src(%dma_wait3A_370 : memref<4096x1024xf32, #tpu.memory_space<hbm>>) dst(%arg7 : memref<32x1024xf32, #tpu.memory_space<vmem>>)
    %add3A_371 = arith.constant 480 : i32
    %add3A_372 = arith.addi %mul3A_2, %add3A_371 : i32
    %dma_start3A_373 = arith.constant 0 : i32
    %dma_start3A_374 = tpu.memref_slice %arg4[%add3A_372, %dma_start3A_373] : memref<16384x1024xf32, #tpu.memory_space<hbm>> -> memref<32x1024xf32, #tpu.memory_space<hbm>>
    %dma_start3A_375 = arith.constant 0 : i32
    %dma_start3A_376 = tpu.memref_slice %arg4[%add3A_372, %dma_start3A_375] : memref<16384x1024xf32, #tpu.memory_space<hbm>> -> memref<32x1024xf32, #tpu.memory_space<hbm>>
    tpu.enqueue_dma source(%arg7 : memref<32x1024xf32, #tpu.memory_space<vmem>>) target(%dma_start3A_376 : memref<32x1024xf32, #tpu.memory_space<hbm>>) target_semaphore(%arg9 : memref<!tpu.dma_semaphore, #tpu.memory_space<semaphore_mem>>)
    %dma_wait3A_377 = arith.constant 0 : i32
    %dma_wait3A_378 = tpu.memref_slice %arg4[%add3A_359, %dma_wait3A_377] : memref<16384x1024xf32, #tpu.memory_space<hbm>> -> memref<32x1024xf32, #tpu.memory_space<hbm>>
    %dma_wait3A_379 = arith.constant 0 : i32
    %dma_wait3A_380 = tpu.memref_slice %arg4[%add3A_359, %dma_wait3A_379] : memref<16384x1024xf32, #tpu.memory_space<hbm>> -> memref<32x1024xf32, #tpu.memory_space<hbm>>
    tpu.wait_dma2 semaphore(%arg9 : memref<!tpu.dma_semaphore, #tpu.memory_space<semaphore_mem>>) src(%arg6 : memref<32x1024xf32, #tpu.memory_space<vmem>>) dst(%dma_wait3A_380 : memref<32x1024xf32, #tpu.memory_space<hbm>>)
    %dma_wait3A_381 = arith.constant 0 : i32
    %dma_wait3A_382 = tpu.memref_slice %arg4[%add3A_372, %dma_wait3A_381] : memref<16384x1024xf32, #tpu.memory_space<hbm>> -> memref<32x1024xf32, #tpu.memory_space<hbm>>
    %dma_wait3A_383 = arith.constant 0 : i32
    %dma_wait3A_384 = tpu.memref_slice %arg4[%add3A_372, %dma_wait3A_383] : memref<16384x1024xf32, #tpu.memory_space<hbm>> -> memref<32x1024xf32, #tpu.memory_space<hbm>>
    tpu.wait_dma2 semaphore(%arg9 : memref<!tpu.dma_semaphore, #tpu.memory_space<semaphore_mem>>) src(%arg7 : memref<32x1024xf32, #tpu.memory_space<vmem>>) dst(%dma_wait3A_384 : memref<32x1024xf32, #tpu.memory_space<hbm>>)
    return
  }
}

</mosaic_0001>

<sc_bundles>
// kernel: kernel.3.cloned.1.call-start
scs
__scs_entry_jumppad:
0x0: {  	(pc) =	sbr.rel $0x88, $3  }
0x1: {  	(tag) =	ssettag $0x0;
	lr =	simm.s32 $0x1  }
0x2: {  	[smem:$0x3F9F] =	sst lr;
	_ =	strace $0xD0000000  }
0x3: {  	_ = 	snop  }
0x4: {  	_ = 	snop  }
0x5: {  	_ = 	snop  }
0x6: {  	_ = 	snop  }
0x7: {  	_ = 	snop  }
__scs_overlays_trampoline_lowered:
0x8: {  	[smem:$0x3FAE] =	sst s0  }
0x9: {  	[smem:$0x3FAF] =	sst s1  }
0xa: {  	[smem:$0x3FB0] =	sst s2  }
0xb: {  	[smem:$0x3FB1] =	sst s3  }
0xc: {  	[smem:$0x3FB2] =	sst s4  }
0xd: {  	[smem:$0x3FB3] =	sst s5  }
0xe: {  	[smem:$0x3FB4] =	sst s6  }
0xf: {  	[smem:$0x3FB5] =	sst s7  }
0x10: {  	[smem:$0x3FB6] =	sst s8  }
0x11: {  	[smem:$0x3FB7] =	sst s9;
	s0 =	simm.s32 @!p0 $0x0  }
0x12: {  	s1 =	sld [smem:$0x3F9D];
	s0 =	simm.s32 @p0 $0x1  }
0x13: {  	[smem:$0x3FB8] =	sst s0;
	s0 =	simm.s32 @!p1 $0x0  }
0x14: {  	s2 =	sld [smem:$0x3F9C];
	s0 =	simm.s32 @p1 $0x1  }
0x15: {  	[smem:$0x3FB9] =	sst s0;
	s0 =	simm.s32 @!p2 $0x0  }
0x16: {  	s3 =	sld [smem:$0x3FDB];
	s0 =	simm.s32 @p2 $0x1  }
0x17: {  	s4 =	simm.s32 $0x1BF5;
	[smem:$0x3FBB] =	sst s0  }
0x18: {  	s0 =	sld [smem:$0x3F9E];
	_ =	swait.ge [sflag:s4], $0x0  }
0x19: {  	s7 =	sld [smem:$0x3F9F]  }
0x1a: {  	s8 =	sadd.s32 $0xFFFFE003, lr  }
0x1b: {  	s9 =	sadd.s32 $0xFFFFFEF7, lr;
	s5 =	simm.s32 $0xFFFFFFFF;
	p2 =	slt.u32 s8, $0xFFFFF086  }
0x1c: {  	p1 =	slt.u32 s9, $0xF7A;
	s5 =	simm.s32 @!p2 $0x0  }
0x1d: {  	s5 =	simm.s32 @p1 $0x1;
	p0 =	seq.s32 s7, s2  }
0x1e: {  	s7 =	smul.u32 @!p0 $0xF7A, s2;
	p2 =	seq.s32 @!p0 s5, $0x0  }
0x1f: {  	s9 =	smul.u32 $0xF7A, s1;
	s8 =	simm.s32 @!p0 $0x1BF5;
	p2 =	por !p2, p0  }
0x20: {  	[sflag:s8] =	ssyncset.s32 @!p0 $0xFFFFF086;
	s6 =	sadd.s32 @!p0 s3, s7;
	s7 =	simm.s32 @!p0 $0x108  }
0x21: {  	s3 =	sadd.s32 s3, s9;
	s6 =	sadd.s32 @!p0 $0x88, s6;
	s7 =	simm.s32 @p2 $0x1082  }
0x22: {  	[simem:s7], [sflag:s8] =	dma.local @!p0 [hbm:s6], $0xF7A  }
0x23: {  	s9 =	sor.u32 $0xD0000000, s2;
	s6 =	simm.s32 $0x108;
	_ =	swait.ge @!p0 [sflag:s8], $0x0  }
0x24: {  	s3 =	sadd.s32 $0x88, s3;
	s6 =	simm.s32 @!p1 $0x1082;
	[sflag:s4] =	ssyncset.s32 $0xFFFFF086  }
0x25: {  	[simem:s6], [sflag:s4] =	dma.local [hbm:s3], $0xF7A  }
0x26: {  	[smem:$0x3F9F] =	sst s1;
	(tag) =	ssettag s2;
	_ =	strace s9  }
0x27: {  	s1 =	sld [smem:$0x3FAF]  }
0x28: {  	s2 =	sld [smem:$0x3FB0]  }
0x29: {  	s4 =	sld [smem:$0x3FB2]  }
0x2a: {  	p0 =	seq.s32 s5, $0x0;
	s5 =	sld [smem:$0x3FB3]  }
0x2b: {  	s6 =	sld [smem:$0x3FB4]  }
0x2c: {  	s7 =	sld [smem:$0x3FB5]  }
0x2d: {  	s3 =	simm.s32 $0x108;
	s8 =	sld [smem:$0x3FB6]  }
0x2e: {  	s3 =	simm.s32 @!p0 $0x1082;
	s9 =	sld [smem:$0x3FB7]  }
0x2f: {  	lr =	sadd.s32 s0, s3;
	s0 =	sld [smem:$0x3FAE]  }
0x30: {  	s3 =	sld [smem:$0x3FB1]  }
0x31: {  	[smem:$0x3FBA] =	sst s10  }
0x32: {  	s10 =	sld [smem:$0x3FB8];
	_ =	sdelay $0x3  }
0x33: {  	p0 =	seq.s32 s10, $0x1;
	s10 =	sld [smem:$0x3FBA];
	_ =	sdelay $0x3  }
0x34: {  	[smem:$0x3FBA] =	sst s10  }
0x35: {  	s10 =	sld [smem:$0x3FB9];
	_ =	sdelay $0x3  }
0x36: {  	p1 =	seq.s32 s10, $0x1;
	s10 =	sld [smem:$0x3FBA];
	_ =	sdelay $0x3  }
0x37: {  	[smem:$0x3FBA] =	sst s10  }
0x38: {  	s10 =	sld [smem:$0x3FBB]  }
0x39: {  	_ = 	snop;
	(pc) =	sbr.ind lr, $3  }
0x3a: {  	_ = 	snop  }
0x3b: {  	_ = 	snop  }
0x3c: {  	p2 =	seq.s32 s10, $0x1;
	s10 =	sld [smem:$0x3FBA]  }
0x3d: {  	_ =	shalt  }
0x3e: {  	_ =	shalt  }
0x3f: {  	_ =	shalt  }
0x40: {  	_ =	shalt  }
0x41: {  	_ =	shalt  }
0x42: {  	_ =	shalt  }
0x43: {  	_ =	shalt  }
0x44: {  	_ =	shalt  }
0x45: {  	_ =	shalt  }
0x46: {  	_ =	shalt  }
0x47: {  	_ =	shalt  }
0x48: {  	_ =	shalt  }
0x49: {  	_ =	shalt  }
0x4a: {  	_ =	shalt  }
0x4b: {  	_ =	shalt  }
0x4c: {  	_ =	shalt  }
0x4d: {  	_ =	shalt  }
0x4e: {  	_ =	shalt  }
0x4f: {  	_ =	shalt  }
0x50: {  	_ =	shalt  }
0x51: {  	_ =	shalt  }
0x52: {  	_ =	shalt  }
0x53: {  	_ =	shalt  }
0x54: {  	_ =	shalt  }
0x55: {  	_ =	shalt  }
0x56: {  	_ =	shalt  }
0x57: {  	_ =	shalt  }
0x58: {  	_ =	shalt  }
0x59: {  	_ =	shalt  }
0x5a: {  	_ =	shalt  }
0x5b: {  	_ =	shalt  }
0x5c: {  	_ =	shalt  }
0x5d: {  	_ =	shalt  }
0x5e: {  	_ =	shalt  }
0x5f: {  	_ =	shalt  }
0x60: {  	_ =	shalt  }
0x61: {  	_ =	shalt  }
0x62: {  	_ =	shalt  }
0x63: {  	_ =	shalt  }
0x64: {  	_ =	shalt  }
0x65: {  	_ =	shalt  }
0x66: {  	_ =	shalt  }
0x67: {  	_ =	shalt  }
0x68: {  	_ =	shalt  }
0x69: {  	_ =	shalt  }
0x6a: {  	_ =	shalt  }
0x6b: {  	_ =	shalt  }
0x6c: {  	_ =	shalt  }
0x6d: {  	_ =	shalt  }
0x6e: {  	_ =	shalt  }
0x6f: {  	_ =	shalt  }
0x70: {  	_ =	shalt  }
0x71: {  	_ =	shalt  }
0x72: {  	_ =	shalt  }
0x73: {  	_ =	shalt  }
0x74: {  	_ =	shalt  }
0x75: {  	_ =	shalt  }
0x76: {  	_ =	shalt  }
0x77: {  	_ =	shalt  }
0x78: {  	_ =	shalt  }
0x79: {  	_ =	shalt  }
0x7a: {  	_ =	shalt  }
0x7b: {  	_ =	shalt  }
0x7c: {  	_ =	shalt  }
0x7d: {  	_ =	shalt  }
0x7e: {  	_ =	shalt  }
0x7f: {  	_ =	shalt  }
0x80: {  	_ =	shalt  }
0x81: {  	_ =	shalt  }
0x82: {  	_ =	shalt  }
0x83: {  	_ =	shalt  }
0x84: {  	_ =	shalt  }
0x85: {  	_ =	shalt  }
0x86: {  	_ =	shalt  }
0x87: {  	_ =	shalt  }
.Lfunc_end0:
.L_simem_size_0:
called_computation_lowered:
.L_overlay_start_0:
0x88: {  	s2 =	sld [smem:$0x3FD9]  }
0x89: {  	s3 =	sld [smem:$0x3FFE];
	_ =	sdelay $0x1  }
0x8a: {  	s1 =	srdreg.scid  }
0x8b: {  	s0 =	sand.u32 $0x1, s1  }
0x8c: {  	s17 =	sshll.u32 s0, $0xA;
	s2 =	sadd.s32 s3, s2  }
0x8d: {  	s2 =	sadd.s32 s2, s17  }
0x8e: {  	[smem:$0x3FC6] =	sst s2  }
0x8f: {  	_ = 	snop  }
0x90: {  	s2 =	sld [smem:$0x3FC8]  }
0x91: {  	s18 =	sld [smem:$0x3FD0];
	(tm) =	ssettm $0x1  }
0x92: {  	s4 =	sld [smem:$0x3FFB];
	_ =	sdelay $0x3  }
0x93: {  	_ =	strace s4  }
0x94: {  	s4 =	sld [smem:$0x3FFC];
	_ =	sdelay $0x3  }
0x95: {  	_ =	strace s4  }
0x96: {  	s4 =	sld [smem:$0x3FFD];
	_ =	sdelay $0x3  }
0x97: {  	_ =	strace s4  }
0x98: {  	_ =	strace $0x8FFFFFFF  }
0x99: {  	s19 =	sld [smem:$0x3FDB];
	_ =	sdelay $0x1  }
0x9a: {  	s5 =	simm.s32 $_scs_section_size  }
0x9b: {  	s6 =	simm.s32 $_size__tile_overlayer_lowered;
	s7 =	simm.s32 $_tile_overlayer_lowered  }
0x9c: {  	s22 =	simm.s32 $0x1BFF;
	s21 =	sshll.u32 s7, $0x1;
	s4 =	sadd.s32 s5, s19  }
0x9d: {  	s8 =	simm.s32 $0x0;
	s20 =	sshll.u32 s6, $0x1;
	s6 =	sadd.s32 s21, s4  }
0x9e: {  	[timem:s8], [sflag:s22] =	dma.local [hbm:s6], s20  }
0x9f: {  	_ =	swait.ge [sflag:s22], s20  }
0xa0: {  	s5 =	ssub.s32 $0x0, s20;
	[sflag:s22] =	ssyncset.done $0x0  }
0xa1: {  	[sflag:s22] =	ssyncadd.s32 s5;
	_ =	sdelay $0x1  }
0xa2: {  	s23 =	simm.s32 $0x1B8B  }
0xa3: {  	_ =	swait.ge [sflag:s23], $0x1  }
0xa4: {  	[sflag:s23] =	ssyncset.done $0x0  }
0xa5: {  	s25 =	simm.s32 $0x1B8E;
	s24 =	sld [smem:$0x3FFE];
	[sflag:s23] =	ssyncadd.s32 $0xFFFFFFFF  }
0xa6: {  	s26 =	simm.s32 $execute0_lowered;
	[smem:$0x3FD2] =	sst s25  }
0xa7: {  	s6 =	sshll.u32 s26, $0x1;
	_ =	strace $0x80000046;
	[dreg:$0x1] =	wrdreg $0xFFFFFFFF  }
0xa8: {  	s28 =	simm.s32 $_size_execute0_lowered;
	s4 =	sadd.s32 s4, s6;
	[dreg:$0x0] =	wrdreg $0x0  }
0xa9: {  	s6 =	sshll.u32 s28, $0x1;
	[dreg:$0x2] =	wrdreg s4  }
0xaa: {  	[dreg:$0x3] =	wrdreg s6  }
0xab: {  	[dreg:$0x4] =	wrdreg $0xC0  }
0xac: {  	_ =	task [dreg:s8], $0x5FFFF  }
0xad: {  	[dreg:$0x1] =	wrdreg $0xFFFFFFFF  }
0xae: {  	[dreg:$0x0] =	wrdreg $0x60  }
0xaf: {  	[dreg:$0x2] =	wrdreg s24  }
0xb0: {  	[dreg:$0x3] =	wrdreg s2  }
0xb1: {  	[dreg:$0x4] =	wrdreg s18  }
0xb2: {  	[dreg:$0x5] =	wrdreg $0x9  }
0xb3: {  	_ =	task.clear_ibuf [dreg:s8], $0x6FFFF;
	_ =	strace $0x90000046  }
0xb4: {  	s29 =	simm.s32 $0x9;
	_ =	strace $0x80000048  }
0xb5: {  	_ =	swait.ge [sflag:s29], $0x1  }
0xb6: {  	[sflag:s29] =	ssyncadd.s32 $0xFFFFFFFF  }
0xb7: {  	_ =	strace $0x90000048  }
0xb8: {  	_ =	sfence  }
0xb9: {  	s30 =	sld [smem:$0x0];
	_ =	sdelay $0x2  }
0xba: {  	s31 =	sshll.u32 s1, $0xD;
	s1 =	sshrl.u32 s1, $0x2  }
0xbb: {  	s3 =	sand.u32 $0x4000, s31;
	s1 =	sadd.s32 s1, s30  }
0xbc: {  	s0 =	sor.u32 s3, s0;
	s1 =	sshll.u32 s1, $0x11  }
0xbd: {  	s0 =	sor.u32 s1, s0  }
0xbe: {  	s0 =	sadd.s32 $0x8F2B, s0  }
0xbf: {  	[sflag:s0] =	ssyncadd.remote.s32 $0x1  }
0xc0: {  	_ =	sfence.sel $0xFFFF  }
0xc1: {  	[dreg:$0x0] =	wrdreg $0xFFFFFFFF;
	(pc) =	sbr.abs _section_cstart, $3  }
0xc2: {  	[dreg:$0x1] =	wrdreg $0xFFFFFFFF  }
0xc3: {  	_ =	task.clear_ibuf [dreg:s8], $0x2FFFF;
	_ =	strace $0x9FFFFFFF  }
0xc4: {  	(tm) =	ssettm $0x7FFFFFFF  }
0xc5: {  	_ =	shalt  }
tec
execute0_lowered:
.L_overlay_start_1:
0x0: {  	(tag) =	ssettag $0x1  }
0x1: {  	s0 =	rddreg [dreg:$0x0]  }
0x2: {  	s1 =	srdreg.scid;
	s3 =	stileid.u32  }
0x3: {  	s2 =	rddreg [dreg:$0x1];
	s1 =	sand.u32 $0x1, s1;
	s3 =	sshll.u32 s3, $0x1  }
0x4: {  	s4 =	rddreg [dreg:$0x2];
	s5 =	sor.u32 s1, s3  }
0x5: {  	s3 =	simm.s32 $0x0;
	s6 =	sshll.u32 s5, $0x8;
	s5 =	sshll.u32 s5, $0x10  }
0x6: {  	[smem:$0x7FF] =	sst s3;
	s0 =	sadd.s32 s6, s0;
	s13 =	sadd.s32 s4, s5  }
0x7: {  	_ =	strace $0x80000047;
	s0 =	sadd.s32 $0x400, s0;
	[dreg:$0x14] =	wrdreg s13  }
0x8: {  	s14 =	sadd.s32 $0x1000, s13;
	[dreg:$0x4] =	wrdreg s0  }
0x9: {  	s15 =	sadd.s32 $0x2000, s13;
	[dreg:$0x5] =	wrdreg s14  }
0xa: {  	s16 =	sadd.s32 $0x3000, s13;
	[dreg:$0x6] =	wrdreg s15  }
0xb: {  	s17 =	sadd.s32 $0x4000, s13;
	[dreg:$0x7] =	wrdreg s16  }
0xc: {  	s18 =	sadd.s32 $0x5000, s13;
	[dreg:$0x8] =	wrdreg s17  }
0xd: {  	s19 =	sadd.s32 $0x6000, s13;
	[dreg:$0x9] =	wrdreg s18  }
0xe: {  	s10 =	simm.s32 $0x800;
	s20 =	sadd.s32 $0x7000, s13;
	[dreg:$0xa] =	wrdreg s19  }
0xf: {  	s7 =	sadd.s32 $0x300, s2;
	s21 =	sadd.s32 $0x8000, s13;
	[dreg:$0xb] =	wrdreg s20  }
0x10: {  	s1 =	ssub.s32 $0x2, s1;
	s22 =	sadd.s32 $0x9000, s13;
	[dreg:$0xc] =	wrdreg s21  }
0x11: {  	s26 =	sshrl.u32 s1, $0x1;
	s23 =	sadd.s32 $0xA000, s13;
	[dreg:$0xd] =	wrdreg s22  }
0x12: {  	s1 =	ssub.s32 s1, s26;
	s24 =	sadd.s32 $0xB000, s13;
	[dreg:$0xe] =	wrdreg s23  }
0x13: {  	s5 =	sadd.s32 $0x100, s2;
	s25 =	sadd.s32 $0xC000, s13;
	[dreg:$0xf] =	wrdreg s24  }
0x14: {  	s6 =	sadd.s32 $0x200, s2;
	s28 =	sadd.s32 $0xD000, s13;
	[dreg:$0x10] =	wrdreg s25  }
0x15: {  	v2 =	vlaneseq.u32;
	s26 =	simm.s32 $0x8800;
	s29 =	sadd.s32 $0xE000, s13;
	[dreg:$0x11] =	wrdreg s28  }
0x16: {  	vm0 =	vmmov $0xffff;
	v1 =	vshrl.u32 v2, $0x3;
	s31 =	sadd.s32 $0xF000, s13;
	s30 =	smax.u32 s1, $0x1;
	[dreg:$0x12] =	wrdreg s29  }
0x17: {  	v0 =	vand.u32 $0x7, v2;
	v2 =	vor.u32 $0x8, v2;
	v1 =	vmul.u32 $0x8, v1;
	[dreg:$0x13] =	wrdreg s31;
	s18 =	simm.s32 $0x1;
	s19 =	simm.s32 $0x2  }
.LBB2_1:
0x18: {  	s20 =	rddreg [dreg:$0x4];
	s29 =	simm.s32 $0x3  }
0x19: {  	[tilespmem:s3], [sflag:$0x3] =	stream.linear.gather [hbm4b:s20+s3], $0x800, $0x38;
	[tilespmem:$0x10800] =	vst v63  }
0x1a: {  	_ =	swait.ge [sflag:s29], $0x800  }
0x1b: {  	[sflag:s29] =	ssyncset.done $0x0  }
0x1c: {  	[sflag:s29] =	ssyncadd.s32 $0xFFFFF800  }
0x1d: {  	v3 =	vld [tilespmem:$0x0];
	_ =	sdelay $0x4  }
0x1e: {  	v4 =	vshll.u32 v3, $0x3  }
0x1f: {  	v3 =	vand.u32 $0x7, v3;
	v4 =	vand.u32 $0xFFFFFFC0, v4  }
0x20: {  	v3 =	vor.u32 v3, v4  }
0x21: {  	v4 =	vperm.xlane v3, v0;
	_ =	sdelay $0x1  }
0x22: {  	v4 =	vadd.s32 v1, v4;
	_ =	sdelay $0x4  }
0x23: {  	[tilespmem:s10], [sflag:$0x1] =	stream.indirect_vreg.gather [hbm4b:s2+s3], $0x80, v4, vm0, $0xb8;
	[tilespmem:$0x10800] =	vst v63  }
0x24: {  	s0 =	simm.s32 $0x1000;
	v3 =	vperm.xlane v3, v2  }
0x25: {  	[tilespmem:s0], [sflag:$0x1] =	stream.indirect_vreg.gather [hbm4b:s5+s3], $0x80, v4, vm0, $0xb8;
	[tilespmem:$0x10800] =	vst v63  }
0x26: {  	s31 =	simm.s32 $0x1800;
	v3 =	vadd.s32 v1, v3  }
0x27: {  	[tilespmem:s31], [sflag:$0x1] =	stream.indirect_vreg.gather [hbm4b:s6+s3], $0x80, v4, vm0, $0xb8;
	[tilespmem:$0x10800] =	vst v63  }
0x28: {  	s1 =	simm.s32 $0x2000  }
0x29: {  	[tilespmem:s1], [sflag:$0x1] =	stream.indirect_vreg.gather [hbm4b:s7+s3], $0x80, v4, vm0, $0xb8;
	[tilespmem:$0x10800] =	vst v63  }
0x2a: {  	s8 =	simm.s32 $0x2800  }
0x2b: {  	[tilespmem:s8], [sflag:$0x1] =	stream.indirect_vreg.gather [hbm4b:s2+s3], $0x80, v3, vm0, $0xb8;
	[tilespmem:$0x10800] =	vst v63  }
0x2c: {  	s9 =	simm.s32 $0x3000  }
0x2d: {  	[tilespmem:s9], [sflag:$0x1] =	stream.indirect_vreg.gather [hbm4b:s5+s3], $0x80, v3, vm0, $0xb8;
	[tilespmem:$0x10800] =	vst v63  }
0x2e: {  	s11 =	simm.s32 $0x3800  }
0x2f: {  	[tilespmem:s11], [sflag:$0x1] =	stream.indirect_vreg.gather [hbm4b:s6+s3], $0x80, v3, vm0, $0xb8;
	[tilespmem:$0x10800] =	vst v63  }
0x30: {  	s12 =	simm.s32 $0x4000  }
0x31: {  	[tilespmem:s12], [sflag:$0x1] =	stream.indirect_vreg.gather [hbm4b:s7+s3], $0x80, v3, vm0, $0xb8;
	[tilespmem:$0x10800] =	vst v63  }
0x32: {  	v3 =	vld [tilespmem:$0x10];
	_ =	sdelay $0x4  }
0x33: {  	v33 =	vshll.u32 v3, $0x3  }
0x34: {  	v3 =	vand.u32 $0x7, v3;
	v4 =	vand.u32 $0xFFFFFFC0, v33  }
0x35: {  	v3 =	vor.u32 v3, v4  }
0x36: {  	v4 =	vperm.xlane v3, v0;
	_ =	sdelay $0x1  }
0x37: {  	v4 =	vadd.s32 v1, v4;
	_ =	sdelay $0x3  }
0x38: {  	s13 =	simm.s32 $0x4800  }
0x39: {  	[tilespmem:s13], [sflag:$0x1] =	stream.indirect_vreg.gather [hbm4b:s2+s3], $0x80, v4, vm0, $0xb8;
	[tilespmem:$0x10800] =	vst v63  }
0x3a: {  	s14 =	simm.s32 $0x5000;
	v3 =	vperm.xlane v3, v2  }
0x3b: {  	[tilespmem:s14], [sflag:$0x1] =	stream.indirect_vreg.gather [hbm4b:s5+s3], $0x80, v4, vm0, $0xb8;
	[tilespmem:$0x10800] =	vst v63  }
0x3c: {  	s15 =	simm.s32 $0x5800;
	v3 =	vadd.s32 v1, v3  }
0x3d: {  	[tilespmem:s15], [sflag:$0x1] =	stream.indirect_vreg.gather [hbm4b:s6+s3], $0x80, v4, vm0, $0xb8;
	[tilespmem:$0x10800] =	vst v63  }
0x3e: {  	s16 =	simm.s32 $0x6000  }
0x3f: {  	[tilespmem:s16], [sflag:$0x1] =	stream.indirect_vreg.gather [hbm4b:s7+s3], $0x80, v4, vm0, $0xb8;
	[tilespmem:$0x10800] =	vst v63  }
0x40: {  	s17 =	simm.s32 $0x6800  }
0x41: {  	[tilespmem:s17], [sflag:$0x1] =	stream.indirect_vreg.gather [hbm4b:s2+s3], $0x80, v3, vm0, $0xb8;
	[tilespmem:$0x10800] =	vst v63  }
0x42: {  	s20 =	simm.s32 $0x7000  }
0x43: {  	[tilespmem:s20], [sflag:$0x1] =	stream.indirect_vreg.gather [hbm4b:s5+s3], $0x80, v3, vm0, $0xb8;
	[tilespmem:$0x10800] =	vst v63  }
0x44: {  	s21 =	simm.s32 $0x7800  }
0x45: {  	[tilespmem:s21], [sflag:$0x1] =	stream.indirect_vreg.gather [hbm4b:s6+s3], $0x80, v3, vm0, $0xb8;
	[tilespmem:$0x10800] =	vst v63  }
0x46: {  	s23 =	simm.s32 $0x8000  }
0x47: {  	[tilespmem:s23], [sflag:$0x1] =	stream.indirect_vreg.gather [hbm4b:s7+s3], $0x80, v3, vm0, $0xb8;
	[tilespmem:$0x10800] =	vst v63  }
0x48: {  	v3 =	vld [tilespmem:$0x80];
	_ =	sdelay $0x4  }
0x49: {  	v34 =	vshll.u32 v3, $0x3  }
0x4a: {  	v3 =	vand.u32 $0x7, v3;
	v4 =	vand.u32 $0xFFFFFFC0, v34  }
0x4b: {  	v3 =	vor.u32 v3, v4  }
0x4c: {  	v4 =	vperm.xlane v3, v0;
	_ =	sdelay $0x1  }
0x4d: {  	v4 =	vadd.s32 v1, v4;
	_ =	sdelay $0x4  }
0x4e: {  	[tilespmem:s26], [sflag:$0x1] =	stream.indirect_vreg.gather [hbm4b:s2+s3], $0x80, v4, vm0, $0xb8;
	[tilespmem:$0x10800] =	vst v63  }
0x4f: {  	s24 =	simm.s32 $0x9000;
	v3 =	vperm.xlane v3, v2  }
0x50: {  	[tilespmem:s24], [sflag:$0x1] =	stream.indirect_vreg.gather [hbm4b:s5+s3], $0x80, v4, vm0, $0xb8;
	[tilespmem:$0x10800] =	vst v63  }
0x51: {  	s25 =	simm.s32 $0x9800;
	v3 =	vadd.s32 v1, v3  }
0x52: {  	[tilespmem:s25], [sflag:$0x1] =	stream.indirect_vreg.gather [hbm4b:s6+s3], $0x80, v4, vm0, $0xb8;
	[tilespmem:$0x10800] =	vst v63  }
0x53: {  	s28 =	simm.s32 $0xA000  }
0x54: {  	[tilespmem:s28], [sflag:$0x1] =	stream.indirect_vreg.gather [hbm4b:s7+s3], $0x80, v4, vm0, $0xb8;
	[tilespmem:$0x10800] =	vst v63  }
0x55: {  	s29 =	simm.s32 $0xA800  }
0x56: {  	[tilespmem:s29], [sflag:$0x1] =	stream.indirect_vreg.gather [hbm4b:s2+s3], $0x80, v3, vm0, $0xb8;
	[tilespmem:$0x10800] =	vst v63  }
0x57: {  	s31 =	simm.s32 $0xB000  }
0x58: {  	[tilespmem:s31], [sflag:$0x1] =	stream.indirect_vreg.gather [hbm4b:s5+s3], $0x80, v3, vm0, $0xb8;
	[tilespmem:$0x10800] =	vst v63  }
0x59: {  	s0 =	simm.s32 $0xB800  }
0x5a: {  	[tilespmem:s0], [sflag:$0x1] =	stream.indirect_vreg.gather [hbm4b:s6+s3], $0x80, v3, vm0, $0xb8;
	[tilespmem:$0x10800] =	vst v63  }
0x5b: {  	s15 =	simm.s32 $0xC000  }
0x5c: {  	[tilespmem:s15], [sflag:$0x1] =	stream.indirect_vreg.gather [hbm4b:s7+s3], $0x80, v3, vm0, $0xb8;
	[tilespmem:$0x10800] =	vst v63  }
0x5d: {  	v3 =	vld [tilespmem:$0x90];
	_ =	sdelay $0x4  }
0x5e: {  	v35 =	vshll.u32 v3, $0x3  }
0x5f: {  	v3 =	vand.u32 $0x7, v3;
	v4 =	vand.u32 $0xFFFFFFC0, v35  }
0x60: {  	v3 =	vor.u32 v3, v4  }
0x61: {  	v4 =	vperm.xlane v3, v0;
	_ =	sdelay $0x1  }
0x62: {  	v4 =	vadd.s32 v1, v4;
	_ =	sdelay $0x3  }
0x63: {  	s16 =	simm.s32 $0xC800  }
0x64: {  	[tilespmem:s16], [sflag:$0x1] =	stream.indirect_vreg.gather [hbm4b:s2+s3], $0x80, v4, vm0, $0xb8;
	[tilespmem:$0x10800] =	vst v63  }
0x65: {  	s17 =	simm.s32 $0xD000;
	v3 =	vperm.xlane v3, v2  }
0x66: {  	[tilespmem:s17], [sflag:$0x1] =	stream.indirect_vreg.gather [hbm4b:s5+s3], $0x80, v4, vm0, $0xb8;
	[tilespmem:$0x10800] =	vst v63  }
0x67: {  	s21 =	simm.s32 $0xD800;
	v3 =	vadd.s32 v1, v3  }
0x68: {  	[tilespmem:s21], [sflag:$0x1] =	stream.indirect_vreg.gather [hbm4b:s6+s3], $0x80, v4, vm0, $0xb8;
	[tilespmem:$0x10800] =	vst v63  }
0x69: {  	s23 =	simm.s32 $0xE000  }
0x6a: {  	[tilespmem:s23], [sflag:$0x1] =	stream.indirect_vreg.gather [hbm4b:s7+s3], $0x80, v4, vm0, $0xb8;
	[tilespmem:$0x10800] =	vst v63  }
0x6b: {  	s24 =	simm.s32 $0xE800  }
0x6c: {  	[tilespmem:s24], [sflag:$0x1] =	stream.indirect_vreg.gather [hbm4b:s2+s3], $0x80, v3, vm0, $0xb8;
	[tilespmem:$0x10800] =	vst v63  }
0x6d: {  	s25 =	simm.s32 $0xF000  }
0x6e: {  	[tilespmem:s25], [sflag:$0x1] =	stream.indirect_vreg.gather [hbm4b:s5+s3], $0x80, v3, vm0, $0xb8;
	[tilespmem:$0x10800] =	vst v63  }
0x6f: {  	s28 =	simm.s32 $0xF800  }
0x70: {  	[tilespmem:s28], [sflag:$0x1] =	stream.indirect_vreg.gather [hbm4b:s6+s3], $0x80, v3, vm0, $0xb8;
	[tilespmem:$0x10800] =	vst v63  }
0x71: {  	s29 =	simm.s32 $0x10000  }
0x72: {  	[tilespmem:s29], [sflag:$0x1] =	stream.indirect_vreg.gather [hbm4b:s7+s3], $0x80, v3, vm0, $0xb8;
	[tilespmem:$0x10800] =	vst v63  }
0x73: {  	_ =	swait.ge [sflag:s18], $0x8000  }
0x74: {  	[sflag:s18] =	ssyncset.done $0x0  }
0x75: {  	s0 =	rddreg [dreg:$0x14];
	[sflag:s18] =	ssyncadd.s32 $0xFFFF8000  }
0x76: {  	[hbm4b:s0+s3] =	stream.linear.scatter [tilespmem:s10], [sflag:$0x2], $0x8000, $0x38;
	[tilespmem:$0x10800] =	vst v63  }
0x77: {  	_ =	swait.ge [sflag:s19], $0x8000  }
0x78: {  	[sflag:s19] =	ssyncset.done $0x0  }
0x79: {  	[sflag:s19] =	ssyncadd.s32 $0xFFFF8000  }
0x7a: {  	v3 =	vld [tilespmem:$0x100];
	_ =	sdelay $0x4  }
0x7b: {  	v36 =	vshll.u32 v3, $0x3  }
0x7c: {  	v3 =	vand.u32 $0x7, v3;
	v4 =	vand.u32 $0xFFFFFFC0, v36  }
0x7d: {  	v3 =	vor.u32 v3, v4  }
0x7e: {  	v4 =	vperm.xlane v3, v0;
	_ =	sdelay $0x1  }
0x7f: {  	v4 =	vadd.s32 v1, v4;
	_ =	sdelay $0x4  }
0x80: {  	[tilespmem:s10], [sflag:$0x1] =	stream.indirect_vreg.gather [hbm4b:s2+s3], $0x80, v4, vm0, $0xb8;
	[tilespmem:$0x10800] =	vst v63  }
0x81: {  	s22 =	simm.s32 $0x1000;
	v3 =	vperm.xlane v3, v2  }
0x82: {  	[tilespmem:s22], [sflag:$0x1] =	stream.indirect_vreg.gather [hbm4b:s5+s3], $0x80, v4, vm0, $0xb8;
	[tilespmem:$0x10800] =	vst v63  }
0x83: {  	s4 =	simm.s32 $0x1800;
	v3 =	vadd.s32 v1, v3  }
0x84: {  	[tilespmem:s4], [sflag:$0x1] =	stream.indirect_vreg.gather [hbm4b:s6+s3], $0x80, v4, vm0, $0xb8;
	[tilespmem:$0x10800] =	vst v63  }
0x85: {  	s1 =	simm.s32 $0x2000  }
0x86: {  	[tilespmem:s1], [sflag:$0x1] =	stream.indirect_vreg.gather [hbm4b:s7+s3], $0x80, v4, vm0, $0xb8;
	[tilespmem:$0x10800] =	vst v63  }
0x87: {  	s25 =	simm.s32 $0x2800  }
0x88: {  	[tilespmem:s25], [sflag:$0x1] =	stream.indirect_vreg.gather [hbm4b:s2+s3], $0x80, v3, vm0, $0xb8;
	[tilespmem:$0x10800] =	vst v63  }
0x89: {  	s22 =	simm.s32 $0x3000  }
0x8a: {  	[tilespmem:s22], [sflag:$0x1] =	stream.indirect_vreg.gather [hbm4b:s5+s3], $0x80, v3, vm0, $0xb8;
	[tilespmem:$0x10800] =	vst v63  }
0x8b: {  	s23 =	simm.s32 $0x3800  }
0x8c: {  	[tilespmem:s23], [sflag:$0x1] =	stream.indirect_vreg.gather [hbm4b:s6+s3], $0x80, v3, vm0, $0xb8;
	[tilespmem:$0x10800] =	vst v63  }
0x8d: {  	s24 =	simm.s32 $0x4000  }
0x8e: {  	[tilespmem:s24], [sflag:$0x1] =	stream.indirect_vreg.gather [hbm4b:s7+s3], $0x80, v3, vm0, $0xb8;
	[tilespmem:$0x10800] =	vst v63  }
0x8f: {  	v3 =	vld [tilespmem:$0x110];
	_ =	sdelay $0x4  }
0x90: {  	v37 =	vshll.u32 v3, $0x3  }
0x91: {  	v3 =	vand.u32 $0x7, v3;
	v4 =	vand.u32 $0xFFFFFFC0, v37  }
0x92: {  	v3 =	vor.u32 v3, v4  }
0x93: {  	v4 =	vperm.xlane v3, v0;
	_ =	sdelay $0x1  }
0x94: {  	v4 =	vadd.s32 v1, v4;
	_ =	sdelay $0x3  }
0x95: {  	s28 =	simm.s32 $0x4800  }
0x96: {  	[tilespmem:s28], [sflag:$0x1] =	stream.indirect_vreg.gather [hbm4b:s2+s3], $0x80, v4, vm0, $0xb8;
	[tilespmem:$0x10800] =	vst v63  }
0x97: {  	s29 =	simm.s32 $0x5000;
	v3 =	vperm.xlane v3, v2  }
0x98: {  	[tilespmem:s29], [sflag:$0x1] =	stream.indirect_vreg.gather [hbm4b:s5+s3], $0x80, v4, vm0, $0xb8;
	[tilespmem:$0x10800] =	vst v63  }
0x99: {  	s8 =	simm.s32 $0x5800;
	v3 =	vadd.s32 v1, v3  }
0x9a: {  	[tilespmem:s8], [sflag:$0x1] =	stream.indirect_vreg.gather [hbm4b:s6+s3], $0x80, v4, vm0, $0xb8;
	[tilespmem:$0x10800] =	vst v63  }
0x9b: {  	s9 =	simm.s32 $0x6000  }
0x9c: {  	[tilespmem:s9], [sflag:$0x1] =	stream.indirect_vreg.gather [hbm4b:s7+s3], $0x80, v4, vm0, $0xb8;
	[tilespmem:$0x10800] =	vst v63  }
0x9d: {  	s11 =	simm.s32 $0x6800  }
0x9e: {  	[tilespmem:s11], [sflag:$0x1] =	stream.indirect_vreg.gather [hbm4b:s2+s3], $0x80, v3, vm0, $0xb8;
	[tilespmem:$0x10800] =	vst v63  }
0x9f: {  	s12 =	simm.s32 $0x7000  }
0xa0: {  	[tilespmem:s12], [sflag:$0x1] =	stream.indirect_vreg.gather [hbm4b:s5+s3], $0x80, v3, vm0, $0xb8;
	[tilespmem:$0x10800] =	vst v63  }
0xa1: {  	s13 =	simm.s32 $0x7800  }
0xa2: {  	[tilespmem:s13], [sflag:$0x1] =	stream.indirect_vreg.gather [hbm4b:s6+s3], $0x80, v3, vm0, $0xb8;
	[tilespmem:$0x10800] =	vst v63  }
0xa3: {  	s12 =	simm.s32 $0x8000  }
0xa4: {  	[tilespmem:s12], [sflag:$0x1] =	stream.indirect_vreg.gather [hbm4b:s7+s3], $0x80, v3, vm0, $0xb8;
	[tilespmem:$0x10800] =	vst v63  }
0xa5: {  	_ =	swait.ge [sflag:s18], $0x8000  }
0xa6: {  	[sflag:s18] =	ssyncset.done $0x0  }
0xa7: {  	s8 =	rddreg [dreg:$0x5];
	[sflag:s18] =	ssyncadd.s32 $0xFFFF8000  }
0xa8: {  	[hbm4b:s8+s3] =	stream.linear.scatter [tilespmem:s26], [sflag:$0x2], $0x8000, $0x38;
	[tilespmem:$0x10800] =	vst v63  }
0xa9: {  	_ =	swait.ge [sflag:s19], $0x8000  }
0xaa: {  	[sflag:s19] =	ssyncset.done $0x0  }
0xab: {  	[sflag:s19] =	ssyncadd.s32 $0xFFFF8000  }
0xac: {  	v3 =	vld [tilespmem:$0x180];
	_ =	sdelay $0x4  }
0xad: {  	v38 =	vshll.u32 v3, $0x3  }
0xae: {  	v3 =	vand.u32 $0x7, v3;
	v4 =	vand.u32 $0xFFFFFFC0, v38  }
0xaf: {  	v3 =	vor.u32 v3, v4  }
0xb0: {  	v4 =	vperm.xlane v3, v0;
	_ =	sdelay $0x1  }
0xb1: {  	v4 =	vadd.s32 v1, v4;
	_ =	sdelay $0x4  }
0xb2: {  	[tilespmem:s26], [sflag:$0x1] =	stream.indirect_vreg.gather [hbm4b:s2+s3], $0x80, v4, vm0, $0xb8;
	[tilespmem:$0x10800] =	vst v63  }
0xb3: {  	s14 =	simm.s32 $0x9000;
	v3 =	vperm.xlane v3, v2  }
0xb4: {  	[tilespmem:s14], [sflag:$0x1] =	stream.indirect_vreg.gather [hbm4b:s5+s3], $0x80, v4, vm0, $0xb8;
	[tilespmem:$0x10800] =	vst v63  }
0xb5: {  	s0 =	simm.s32 $0x9800;
	v3 =	vadd.s32 v1, v3  }
0xb6: {  	[tilespmem:s0], [sflag:$0x1] =	stream.indirect_vreg.gather [hbm4b:s6+s3], $0x80, v4, vm0, $0xb8;
	[tilespmem:$0x10800] =	vst v63  }
0xb7: {  	s1 =	simm.s32 $0xA000  }
0xb8: {  	[tilespmem:s1], [sflag:$0x1] =	stream.indirect_vreg.gather [hbm4b:s7+s3], $0x80, v4, vm0, $0xb8;
	[tilespmem:$0x10800] =	vst v63  }
0xb9: {  	s4 =	simm.s32 $0xA800  }
0xba: {  	[tilespmem:s4], [sflag:$0x1] =	stream.indirect_vreg.gather [hbm4b:s2+s3], $0x80, v3, vm0, $0xb8;
	[tilespmem:$0x10800] =	vst v63  }
0xbb: {  	s9 =	simm.s32 $0xB000  }
0xbc: {  	[tilespmem:s9], [sflag:$0x1] =	stream.indirect_vreg.gather [hbm4b:s5+s3], $0x80, v3, vm0, $0xb8;
	[tilespmem:$0x10800] =	vst v63  }
0xbd: {  	s11 =	simm.s32 $0xB800  }
0xbe: {  	[tilespmem:s11], [sflag:$0x1] =	stream.indirect_vreg.gather [hbm4b:s6+s3], $0x80, v3, vm0, $0xb8;
	[tilespmem:$0x10800] =	vst v63  }
0xbf: {  	s15 =	simm.s32 $0xC000  }
0xc0: {  	[tilespmem:s15], [sflag:$0x1] =	stream.indirect_vreg.gather [hbm4b:s7+s3], $0x80, v3, vm0, $0xb8;
	[tilespmem:$0x10800] =	vst v63  }
0xc1: {  	v3 =	vld [tilespmem:$0x190];
	_ =	sdelay $0x4  }
0xc2: {  	v39 =	vshll.u32 v3, $0x3  }
0xc3: {  	v3 =	vand.u32 $0x7, v3;
	v4 =	vand.u32 $0xFFFFFFC0, v39  }
0xc4: {  	v3 =	vor.u32 v3, v4  }
0xc5: {  	v4 =	vperm.xlane v3, v0;
	_ =	sdelay $0x1  }
0xc6: {  	v4 =	vadd.s32 v1, v4;
	_ =	sdelay $0x3  }
0xc7: {  	s16 =	simm.s32 $0xC800  }
0xc8: {  	[tilespmem:s16], [sflag:$0x1] =	stream.indirect_vreg.gather [hbm4b:s2+s3], $0x80, v4, vm0, $0xb8;
	[tilespmem:$0x10800] =	vst v63  }
0xc9: {  	s17 =	simm.s32 $0xD000;
	v3 =	vperm.xlane v3, v2  }
0xca: {  	[tilespmem:s17], [sflag:$0x1] =	stream.indirect_vreg.gather [hbm4b:s5+s3], $0x80, v4, vm0, $0xb8;
	[tilespmem:$0x10800] =	vst v63  }
0xcb: {  	s13 =	simm.s32 $0xD800;
	v3 =	vadd.s32 v1, v3  }
0xcc: {  	[tilespmem:s13], [sflag:$0x1] =	stream.indirect_vreg.gather [hbm4b:s6+s3], $0x80, v4, vm0, $0xb8;
	[tilespmem:$0x10800] =	vst v63  }
0xcd: {  	s15 =	simm.s32 $0xE000  }
0xce: {  	[tilespmem:s15], [sflag:$0x1] =	stream.indirect_vreg.gather [hbm4b:s7+s3], $0x80, v4, vm0, $0xb8;
	[tilespmem:$0x10800] =	vst v63  }
0xcf: {  	s17 =	simm.s32 $0xE800  }
0xd0: {  	[tilespmem:s17], [sflag:$0x1] =	stream.indirect_vreg.gather [hbm4b:s2+s3], $0x80, v3, vm0, $0xb8;
	[tilespmem:$0x10800] =	vst v63  }
0xd1: {  	s31 =	simm.s32 $0xF000  }
0xd2: {  	[tilespmem:s31], [sflag:$0x1] =	stream.indirect_vreg.gather [hbm4b:s5+s3], $0x80, v3, vm0, $0xb8;
	[tilespmem:$0x10800] =	vst v63  }
0xd3: {  	s20 =	simm.s32 $0xF800  }
0xd4: {  	[tilespmem:s20], [sflag:$0x1] =	stream.indirect_vreg.gather [hbm4b:s6+s3], $0x80, v3, vm0, $0xb8;
	[tilespmem:$0x10800] =	vst v63  }
0xd5: {  	s21 =	simm.s32 $0x10000  }
0xd6: {  	[tilespmem:s21], [sflag:$0x1] =	stream.indirect_vreg.gather [hbm4b:s7+s3], $0x80, v3, vm0, $0xb8;
	[tilespmem:$0x10800] =	vst v63  }
0xd7: {  	_ =	swait.ge [sflag:s18], $0x8000  }
0xd8: {  	[sflag:s18] =	ssyncset.done $0x0  }
0xd9: {  	s31 =	rddreg [dreg:$0x6];
	[sflag:s18] =	ssyncadd.s32 $0xFFFF8000  }
0xda: {  	[hbm4b:s31+s3] =	stream.linear.scatter [tilespmem:s10], [sflag:$0x2], $0x8000, $0x38;
	[tilespmem:$0x10800] =	vst v63  }
0xdb: {  	_ =	swait.ge [sflag:s19], $0x8000  }
0xdc: {  	[sflag:s19] =	ssyncset.done $0x0  }
0xdd: {  	[sflag:s19] =	ssyncadd.s32 $0xFFFF8000  }
0xde: {  	v3 =	vld [tilespmem:$0x200];
	_ =	sdelay $0x4  }
0xdf: {  	v40 =	vshll.u32 v3, $0x3  }
0xe0: {  	v3 =	vand.u32 $0x7, v3;
	v4 =	vand.u32 $0xFFFFFFC0, v40  }
0xe1: {  	v3 =	vor.u32 v3, v4  }
0xe2: {  	v4 =	vperm.xlane v3, v0;
	_ =	sdelay $0x1  }
0xe3: {  	v4 =	vadd.s32 v1, v4;
	_ =	sdelay $0x4  }
0xe4: {  	[tilespmem:s10], [sflag:$0x1] =	stream.indirect_vreg.gather [hbm4b:s2+s3], $0x80, v4, vm0, $0xb8;
	[tilespmem:$0x10800] =	vst v63  }
0xe5: {  	s31 =	simm.s32 $0x1000;
	v3 =	vperm.xlane v3, v2  }
0xe6: {  	[tilespmem:s31], [sflag:$0x1] =	stream.indirect_vreg.gather [hbm4b:s5+s3], $0x80, v4, vm0, $0xb8;
	[tilespmem:$0x10800] =	vst v63  }
0xe7: {  	v3 =	vadd.s32 v1, v3;
	s31 =	simm.s32 $0x1800  }
0xe8: {  	[tilespmem:s31], [sflag:$0x1] =	stream.indirect_vreg.gather [hbm4b:s6+s3], $0x80, v4, vm0, $0xb8;
	[tilespmem:$0x10800] =	vst v63  }
0xe9: {  	s31 =	simm.s32 $0x2000  }
0xea: {  	[tilespmem:s31], [sflag:$0x1] =	stream.indirect_vreg.gather [hbm4b:s7+s3], $0x80, v4, vm0, $0xb8;
	[tilespmem:$0x10800] =	vst v63  }
0xeb: {  	_ = 	snop  }
0xec: {  	[tilespmem:s25], [sflag:$0x1] =	stream.indirect_vreg.gather [hbm4b:s2+s3], $0x80, v3, vm0, $0xb8;
	[tilespmem:$0x10800] =	vst v63  }
0xed: {  	_ = 	snop  }
0xee: {  	[tilespmem:s22], [sflag:$0x1] =	stream.indirect_vreg.gather [hbm4b:s5+s3], $0x80, v3, vm0, $0xb8;
	[tilespmem:$0x10800] =	vst v63  }
0xef: {  	_ = 	snop  }
0xf0: {  	[tilespmem:s23], [sflag:$0x1] =	stream.indirect_vreg.gather [hbm4b:s6+s3], $0x80, v3, vm0, $0xb8;
	[tilespmem:$0x10800] =	vst v63  }
0xf1: {  	_ = 	snop  }
0xf2: {  	[tilespmem:s24], [sflag:$0x1] =	stream.indirect_vreg.gather [hbm4b:s7+s3], $0x80, v3, vm0, $0xb8;
	[tilespmem:$0x10800] =	vst v63  }
0xf3: {  	v3 =	vld [tilespmem:$0x210];
	_ =	sdelay $0x4  }
0xf4: {  	v41 =	vshll.u32 v3, $0x3  }
0xf5: {  	v3 =	vand.u32 $0x7, v3;
	v4 =	vand.u32 $0xFFFFFFC0, v41  }
0xf6: {  	v3 =	vor.u32 v3, v4  }
0xf7: {  	v4 =	vperm.xlane v3, v0;
	_ =	sdelay $0x1  }
0xf8: {  	v4 =	vadd.s32 v1, v4;
	_ =	sdelay $0x4  }
0xf9: {  	[tilespmem:s28], [sflag:$0x1] =	stream.indirect_vreg.gather [hbm4b:s2+s3], $0x80, v4, vm0, $0xb8;
	[tilespmem:$0x10800] =	vst v63  }
0xfa: {  	v3 =	vperm.xlane v3, v2  }
0xfb: {  	[tilespmem:s29], [sflag:$0x1] =	stream.indirect_vreg.gather [hbm4b:s5+s3], $0x80, v4, vm0, $0xb8;
	[tilespmem:$0x10800] =	vst v63  }
0xfc: {  	v3 =	vadd.s32 v1, v3;
	s29 =	simm.s32 $0x5800  }
0xfd: {  	[tilespmem:s29], [sflag:$0x1] =	stream.indirect_vreg.gather [hbm4b:s6+s3], $0x80, v4, vm0, $0xb8;
	[tilespmem:$0x10800] =	vst v63  }
0xfe: {  	s29 =	simm.s32 $0x6000  }
0xff: {  	[tilespmem:s29], [sflag:$0x1] =	stream.indirect_vreg.gather [hbm4b:s7+s3], $0x80, v4, vm0, $0xb8;
	[tilespmem:$0x10800] =	vst v63  }
0x100: {  	s29 =	simm.s32 $0x6800  }
0x101: {  	[tilespmem:s29], [sflag:$0x1] =	stream.indirect_vreg.gather [hbm4b:s2+s3], $0x80, v3, vm0, $0xb8;
	[tilespmem:$0x10800] =	vst v63  }
0x102: {  	s29 =	simm.s32 $0x7000  }
0x103: {  	[tilespmem:s29], [sflag:$0x1] =	stream.indirect_vreg.gather [hbm4b:s5+s3], $0x80, v3, vm0, $0xb8;
	[tilespmem:$0x10800] =	vst v63  }
0x104: {  	s29 =	simm.s32 $0x7800  }
0x105: {  	[tilespmem:s29], [sflag:$0x1] =	stream.indirect_vreg.gather [hbm4b:s6+s3], $0x80, v3, vm0, $0xb8;
	[tilespmem:$0x10800] =	vst v63  }
0x106: {  	_ = 	snop  }
0x107: {  	[tilespmem:s12], [sflag:$0x1] =	stream.indirect_vreg.gather [hbm4b:s7+s3], $0x80, v3, vm0, $0xb8;
	[tilespmem:$0x10800] =	vst v63  }
0x108: {  	_ =	swait.ge [sflag:s18], $0x8000  }
0x109: {  	[sflag:s18] =	ssyncset.done $0x0  }
0x10a: {  	s29 =	rddreg [dreg:$0x7];
	[sflag:s18] =	ssyncadd.s32 $0xFFFF8000  }
0x10b: {  	[hbm4b:s29+s3] =	stream.linear.scatter [tilespmem:s26], [sflag:$0x2], $0x8000, $0x38;
	[tilespmem:$0x10800] =	vst v63  }
0x10c: {  	_ =	swait.ge [sflag:s19], $0x8000  }
0x10d: {  	[sflag:s19] =	ssyncset.done $0x0  }
0x10e: {  	[sflag:s19] =	ssyncadd.s32 $0xFFFF8000  }
0x10f: {  	v3 =	vld [tilespmem:$0x280];
	_ =	sdelay $0x4  }
0x110: {  	v42 =	vshll.u32 v3, $0x3  }
0x111: {  	v3 =	vand.u32 $0x7, v3;
	v4 =	vand.u32 $0xFFFFFFC0, v42  }
0x112: {  	v3 =	vor.u32 v3, v4  }
0x113: {  	v4 =	vperm.xlane v3, v0;
	_ =	sdelay $0x1  }
0x114: {  	v4 =	vadd.s32 v1, v4;
	_ =	sdelay $0x4  }
0x115: {  	[tilespmem:s26], [sflag:$0x1] =	stream.indirect_vreg.gather [hbm4b:s2+s3], $0x80, v4, vm0, $0xb8;
	[tilespmem:$0x10800] =	vst v63  }
0x116: {  	s29 =	simm.s32 $0x9000;
	v3 =	vperm.xlane v3, v2  }
0x117: {  	[tilespmem:s29], [sflag:$0x1] =	stream.indirect_vreg.gather [hbm4b:s5+s3], $0x80, v4, vm0, $0xb8;
	[tilespmem:$0x10800] =	vst v63  }
0x118: {  	v3 =	vadd.s32 v1, v3  }
0x119: {  	[tilespmem:s0], [sflag:$0x1] =	stream.indirect_vreg.gather [hbm4b:s6+s3], $0x80, v4, vm0, $0xb8;
	[tilespmem:$0x10800] =	vst v63  }
0x11a: {  	_ = 	snop  }
0x11b: {  	[tilespmem:s1], [sflag:$0x1] =	stream.indirect_vreg.gather [hbm4b:s7+s3], $0x80, v4, vm0, $0xb8;
	[tilespmem:$0x10800] =	vst v63  }
0x11c: {  	_ = 	snop  }
0x11d: {  	[tilespmem:s4], [sflag:$0x1] =	stream.indirect_vreg.gather [hbm4b:s2+s3], $0x80, v3, vm0, $0xb8;
	[tilespmem:$0x10800] =	vst v63  }
0x11e: {  	s14 =	simm.s32 $0xB000  }
0x11f: {  	[tilespmem:s14], [sflag:$0x1] =	stream.indirect_vreg.gather [hbm4b:s5+s3], $0x80, v3, vm0, $0xb8;
	[tilespmem:$0x10800] =	vst v63  }
0x120: {  	s8 =	simm.s32 $0xB800  }
0x121: {  	[tilespmem:s8], [sflag:$0x1] =	stream.indirect_vreg.gather [hbm4b:s6+s3], $0x80, v3, vm0, $0xb8;
	[tilespmem:$0x10800] =	vst v63  }
0x122: {  	s29 =	simm.s32 $0xC000  }
0x123: {  	[tilespmem:s29], [sflag:$0x1] =	stream.indirect_vreg.gather [hbm4b:s7+s3], $0x80, v3, vm0, $0xb8;
	[tilespmem:$0x10800] =	vst v63  }
0x124: {  	v3 =	vld [tilespmem:$0x290];
	_ =	sdelay $0x4  }
0x125: {  	v43 =	vshll.u32 v3, $0x3  }
0x126: {  	v3 =	vand.u32 $0x7, v3;
	v4 =	vand.u32 $0xFFFFFFC0, v43  }
0x127: {  	v3 =	vor.u32 v3, v4  }
0x128: {  	v4 =	vperm.xlane v3, v0;
	_ =	sdelay $0x1  }
0x129: {  	v4 =	vadd.s32 v1, v4;
	_ =	sdelay $0x3  }
0x12a: {  	s16 =	simm.s32 $0xC800  }
0x12b: {  	[tilespmem:s16], [sflag:$0x1] =	stream.indirect_vreg.gather [hbm4b:s2+s3], $0x80, v4, vm0, $0xb8;
	[tilespmem:$0x10800] =	vst v63  }
0x12c: {  	s20 =	simm.s32 $0xD000;
	v3 =	vperm.xlane v3, v2  }
0x12d: {  	[tilespmem:s20], [sflag:$0x1] =	stream.indirect_vreg.gather [hbm4b:s5+s3], $0x80, v4, vm0, $0xb8;
	[tilespmem:$0x10800] =	vst v63  }
0x12e: {  	s9 =	simm.s32 $0xD800;
	v3 =	vadd.s32 v1, v3  }
0x12f: {  	[tilespmem:s9], [sflag:$0x1] =	stream.indirect_vreg.gather [hbm4b:s6+s3], $0x80, v4, vm0, $0xb8;
	[tilespmem:$0x10800] =	vst v63  }
0x130: {  	s11 =	simm.s32 $0xE000  }
0x131: {  	[tilespmem:s11], [sflag:$0x1] =	stream.indirect_vreg.gather [hbm4b:s7+s3], $0x80, v4, vm0, $0xb8;
	[tilespmem:$0x10800] =	vst v63  }
0x132: {  	s15 =	simm.s32 $0xE800  }
0x133: {  	[tilespmem:s15], [sflag:$0x1] =	stream.indirect_vreg.gather [hbm4b:s2+s3], $0x80, v3, vm0, $0xb8;
	[tilespmem:$0x10800] =	vst v63  }
0x134: {  	s17 =	simm.s32 $0xF000  }
0x135: {  	[tilespmem:s17], [sflag:$0x1] =	stream.indirect_vreg.gather [hbm4b:s5+s3], $0x80, v3, vm0, $0xb8;
	[tilespmem:$0x10800] =	vst v63  }
0x136: {  	s13 =	simm.s32 $0xF800  }
0x137: {  	[tilespmem:s13], [sflag:$0x1] =	stream.indirect_vreg.gather [hbm4b:s6+s3], $0x80, v3, vm0, $0xb8;
	[tilespmem:$0x10800] =	vst v63  }
0x138: {  	s21 =	simm.s32 $0x10000  }
0x139: {  	[tilespmem:s21], [sflag:$0x1] =	stream.indirect_vreg.gather [hbm4b:s7+s3], $0x80, v3, vm0, $0xb8;
	[tilespmem:$0x10800] =	vst v63  }
0x13a: {  	_ =	swait.ge [sflag:s18], $0x8000  }
0x13b: {  	[sflag:s18] =	ssyncset.done $0x0  }
0x13c: {  	s20 =	rddreg [dreg:$0x8];
	[sflag:s18] =	ssyncadd.s32 $0xFFFF8000  }
0x13d: {  	[hbm4b:s20+s3] =	stream.linear.scatter [tilespmem:s10], [sflag:$0x2], $0x8000, $0x38;
	[tilespmem:$0x10800] =	vst v63  }
0x13e: {  	_ =	swait.ge [sflag:s19], $0x8000  }
0x13f: {  	[sflag:s19] =	ssyncset.done $0x0  }
0x140: {  	[sflag:s19] =	ssyncadd.s32 $0xFFFF8000  }
0x141: {  	v3 =	vld [tilespmem:$0x300];
	_ =	sdelay $0x4  }
0x142: {  	v44 =	vshll.u32 v3, $0x3  }
0x143: {  	v3 =	vand.u32 $0x7, v3;
	v4 =	vand.u32 $0xFFFFFFC0, v44  }
0x144: {  	v3 =	vor.u32 v3, v4  }
0x145: {  	v4 =	vperm.xlane v3, v0;
	_ =	sdelay $0x1  }
0x146: {  	v4 =	vadd.s32 v1, v4;
	_ =	sdelay $0x4  }
0x147: {  	[tilespmem:s10], [sflag:$0x1] =	stream.indirect_vreg.gather [hbm4b:s2+s3], $0x80, v4, vm0, $0xb8;
	[tilespmem:$0x10800] =	vst v63  }
0x148: {  	s20 =	simm.s32 $0x1000;
	v3 =	vperm.xlane v3, v2  }
0x149: {  	[tilespmem:s20], [sflag:$0x1] =	stream.indirect_vreg.gather [hbm4b:s5+s3], $0x80, v4, vm0, $0xb8;
	[tilespmem:$0x10800] =	vst v63  }
0x14a: {  	v3 =	vadd.s32 v1, v3;
	s20 =	simm.s32 $0x1800  }
0x14b: {  	[tilespmem:s20], [sflag:$0x1] =	stream.indirect_vreg.gather [hbm4b:s6+s3], $0x80, v4, vm0, $0xb8;
	[tilespmem:$0x10800] =	vst v63  }
0x14c: {  	s20 =	simm.s32 $0x2000  }
0x14d: {  	[tilespmem:s20], [sflag:$0x1] =	stream.indirect_vreg.gather [hbm4b:s7+s3], $0x80, v4, vm0, $0xb8;
	[tilespmem:$0x10800] =	vst v63  }
0x14e: {  	s31 =	simm.s32 $0x2800  }
0x14f: {  	[tilespmem:s31], [sflag:$0x1] =	stream.indirect_vreg.gather [hbm4b:s2+s3], $0x80, v3, vm0, $0xb8;
	[tilespmem:$0x10800] =	vst v63  }
0x150: {  	s22 =	simm.s32 $0x3000  }
0x151: {  	[tilespmem:s22], [sflag:$0x1] =	stream.indirect_vreg.gather [hbm4b:s5+s3], $0x80, v3, vm0, $0xb8;
	[tilespmem:$0x10800] =	vst v63  }
0x152: {  	s23 =	simm.s32 $0x3800  }
0x153: {  	[tilespmem:s23], [sflag:$0x1] =	stream.indirect_vreg.gather [hbm4b:s6+s3], $0x80, v3, vm0, $0xb8;
	[tilespmem:$0x10800] =	vst v63  }
0x154: {  	s24 =	simm.s32 $0x4000  }
0x155: {  	[tilespmem:s24], [sflag:$0x1] =	stream.indirect_vreg.gather [hbm4b:s7+s3], $0x80, v3, vm0, $0xb8;
	[tilespmem:$0x10800] =	vst v63  }
0x156: {  	v3 =	vld [tilespmem:$0x310];
	_ =	sdelay $0x4  }
0x157: {  	v45 =	vshll.u32 v3, $0x3  }
0x158: {  	v3 =	vand.u32 $0x7, v3;
	v4 =	vand.u32 $0xFFFFFFC0, v45  }
0x159: {  	v3 =	vor.u32 v3, v4  }
0x15a: {  	v4 =	vperm.xlane v3, v0;
	_ =	sdelay $0x1  }
0x15b: {  	v4 =	vadd.s32 v1, v4;
	_ =	sdelay $0x3  }
0x15c: {  	s25 =	simm.s32 $0x4800  }
0x15d: {  	[tilespmem:s25], [sflag:$0x1] =	stream.indirect_vreg.gather [hbm4b:s2+s3], $0x80, v4, vm0, $0xb8;
	[tilespmem:$0x10800] =	vst v63  }
0x15e: {  	s28 =	simm.s32 $0x5000;
	v3 =	vperm.xlane v3, v2  }
0x15f: {  	[tilespmem:s28], [sflag:$0x1] =	stream.indirect_vreg.gather [hbm4b:s5+s3], $0x80, v4, vm0, $0xb8;
	[tilespmem:$0x10800] =	vst v63  }
0x160: {  	s31 =	simm.s32 $0x5800;
	v3 =	vadd.s32 v1, v3  }
0x161: {  	[tilespmem:s31], [sflag:$0x1] =	stream.indirect_vreg.gather [hbm4b:s6+s3], $0x80, v4, vm0, $0xb8;
	[tilespmem:$0x10800] =	vst v63  }
0x162: {  	s31 =	simm.s32 $0x6000  }
0x163: {  	[tilespmem:s31], [sflag:$0x1] =	stream.indirect_vreg.gather [hbm4b:s7+s3], $0x80, v4, vm0, $0xb8;
	[tilespmem:$0x10800] =	vst v63  }
0x164: {  	s31 =	simm.s32 $0x6800  }
0x165: {  	[tilespmem:s31], [sflag:$0x1] =	stream.indirect_vreg.gather [hbm4b:s2+s3], $0x80, v3, vm0, $0xb8;
	[tilespmem:$0x10800] =	vst v63  }
0x166: {  	s31 =	simm.s32 $0x7000  }
0x167: {  	[tilespmem:s31], [sflag:$0x1] =	stream.indirect_vreg.gather [hbm4b:s5+s3], $0x80, v3, vm0, $0xb8;
	[tilespmem:$0x10800] =	vst v63  }
0x168: {  	s31 =	simm.s32 $0x7800  }
0x169: {  	[tilespmem:s31], [sflag:$0x1] =	stream.indirect_vreg.gather [hbm4b:s6+s3], $0x80, v3, vm0, $0xb8;
	[tilespmem:$0x10800] =	vst v63  }
0x16a: {  	s12 =	simm.s32 $0x8000  }
0x16b: {  	[tilespmem:s12], [sflag:$0x1] =	stream.indirect_vreg.gather [hbm4b:s7+s3], $0x80, v3, vm0, $0xb8;
	[tilespmem:$0x10800] =	vst v63  }
0x16c: {  	_ =	swait.ge [sflag:s18], $0x8000  }
0x16d: {  	[sflag:s18] =	ssyncset.done $0x0  }
0x16e: {  	s31 =	rddreg [dreg:$0x9];
	[sflag:s18] =	ssyncadd.s32 $0xFFFF8000  }
0x16f: {  	[hbm4b:s31+s3] =	stream.linear.scatter [tilespmem:s26], [sflag:$0x2], $0x8000, $0x38;
	[tilespmem:$0x10800] =	vst v63  }
0x170: {  	_ =	swait.ge [sflag:s19], $0x8000  }
0x171: {  	[sflag:s19] =	ssyncset.done $0x0  }
0x172: {  	[sflag:s19] =	ssyncadd.s32 $0xFFFF8000  }
0x173: {  	v3 =	vld [tilespmem:$0x380];
	_ =	sdelay $0x4  }
0x174: {  	v46 =	vshll.u32 v3, $0x3  }
0x175: {  	v3 =	vand.u32 $0x7, v3;
	v4 =	vand.u32 $0xFFFFFFC0, v46  }
0x176: {  	v3 =	vor.u32 v3, v4  }
0x177: {  	v4 =	vperm.xlane v3, v0;
	_ =	sdelay $0x1  }
0x178: {  	v4 =	vadd.s32 v1, v4;
	_ =	sdelay $0x4  }
0x179: {  	[tilespmem:s26], [sflag:$0x1] =	stream.indirect_vreg.gather [hbm4b:s2+s3], $0x80, v4, vm0, $0xb8;
	[tilespmem:$0x10800] =	vst v63  }
0x17a: {  	s31 =	simm.s32 $0x9000;
	v3 =	vperm.xlane v3, v2  }
0x17b: {  	[tilespmem:s31], [sflag:$0x1] =	stream.indirect_vreg.gather [hbm4b:s5+s3], $0x80, v4, vm0, $0xb8;
	[tilespmem:$0x10800] =	vst v63  }
0x17c: {  	s0 =	simm.s32 $0x9800;
	v3 =	vadd.s32 v1, v3  }
0x17d: {  	[tilespmem:s0], [sflag:$0x1] =	stream.indirect_vreg.gather [hbm4b:s6+s3], $0x80, v4, vm0, $0xb8;
	[tilespmem:$0x10800] =	vst v63  }
0x17e: {  	s1 =	simm.s32 $0xA000  }
0x17f: {  	[tilespmem:s1], [sflag:$0x1] =	stream.indirect_vreg.gather [hbm4b:s7+s3], $0x80, v4, vm0, $0xb8;
	[tilespmem:$0x10800] =	vst v63  }
0x180: {  	s4 =	simm.s32 $0xA800  }
0x181: {  	[tilespmem:s4], [sflag:$0x1] =	stream.indirect_vreg.gather [hbm4b:s2+s3], $0x80, v3, vm0, $0xb8;
	[tilespmem:$0x10800] =	vst v63  }
0x182: {  	s14 =	simm.s32 $0xB000  }
0x183: {  	[tilespmem:s14], [sflag:$0x1] =	stream.indirect_vreg.gather [hbm4b:s5+s3], $0x80, v3, vm0, $0xb8;
	[tilespmem:$0x10800] =	vst v63  }
0x184: {  	s8 =	simm.s32 $0xB800  }
0x185: {  	[tilespmem:s8], [sflag:$0x1] =	stream.indirect_vreg.gather [hbm4b:s6+s3], $0x80, v3, vm0, $0xb8;
	[tilespmem:$0x10800] =	vst v63  }
0x186: {  	s29 =	simm.s32 $0xC000  }
0x187: {  	[tilespmem:s29], [sflag:$0x1] =	stream.indirect_vreg.gather [hbm4b:s7+s3], $0x80, v3, vm0, $0xb8;
	[tilespmem:$0x10800] =	vst v63  }
0x188: {  	v3 =	vld [tilespmem:$0x390];
	_ =	sdelay $0x4  }
0x189: {  	v47 =	vshll.u32 v3, $0x3  }
0x18a: {  	v3 =	vand.u32 $0x7, v3;
	v4 =	vand.u32 $0xFFFFFFC0, v47  }
0x18b: {  	v3 =	vor.u32 v3, v4  }
0x18c: {  	v4 =	vperm.xlane v3, v0;
	_ =	sdelay $0x1  }
0x18d: {  	v4 =	vadd.s32 v1, v4;
	_ =	sdelay $0x3  }
0x18e: {  	s16 =	simm.s32 $0xC800  }
0x18f: {  	[tilespmem:s16], [sflag:$0x1] =	stream.indirect_vreg.gather [hbm4b:s2+s3], $0x80, v4, vm0, $0xb8;
	[tilespmem:$0x10800] =	vst v63  }
0x190: {  	s20 =	simm.s32 $0xD000;
	v3 =	vperm.xlane v3, v2  }
0x191: {  	[tilespmem:s20], [sflag:$0x1] =	stream.indirect_vreg.gather [hbm4b:s5+s3], $0x80, v4, vm0, $0xb8;
	[tilespmem:$0x10800] =	vst v63  }
0x192: {  	s9 =	simm.s32 $0xD800;
	v3 =	vadd.s32 v1, v3  }
0x193: {  	[tilespmem:s9], [sflag:$0x1] =	stream.indirect_vreg.gather [hbm4b:s6+s3], $0x80, v4, vm0, $0xb8;
	[tilespmem:$0x10800] =	vst v63  }
0x194: {  	s11 =	simm.s32 $0xE000  }
0x195: {  	[tilespmem:s11], [sflag:$0x1] =	stream.indirect_vreg.gather [hbm4b:s7+s3], $0x80, v4, vm0, $0xb8;
	[tilespmem:$0x10800] =	vst v63  }
0x196: {  	s15 =	simm.s32 $0xE800  }
0x197: {  	[tilespmem:s15], [sflag:$0x1] =	stream.indirect_vreg.gather [hbm4b:s2+s3], $0x80, v3, vm0, $0xb8;
	[tilespmem:$0x10800] =	vst v63  }
0x198: {  	s17 =	simm.s32 $0xF000  }
0x199: {  	[tilespmem:s17], [sflag:$0x1] =	stream.indirect_vreg.gather [hbm4b:s5+s3], $0x80, v3, vm0, $0xb8;
	[tilespmem:$0x10800] =	vst v63  }
0x19a: {  	s13 =	simm.s32 $0xF800  }
0x19b: {  	[tilespmem:s13], [sflag:$0x1] =	stream.indirect_vreg.gather [hbm4b:s6+s3], $0x80, v3, vm0, $0xb8;
	[tilespmem:$0x10800] =	vst v63  }
0x19c: {  	s21 =	simm.s32 $0x10000  }
0x19d: {  	[tilespmem:s21], [sflag:$0x1] =	stream.indirect_vreg.gather [hbm4b:s7+s3], $0x80, v3, vm0, $0xb8;
	[tilespmem:$0x10800] =	vst v63  }
0x19e: {  	_ =	swait.ge [sflag:s18], $0x8000  }
0x19f: {  	[sflag:s18] =	ssyncset.done $0x0  }
0x1a0: {  	s21 =	rddreg [dreg:$0xa];
	[sflag:s18] =	ssyncadd.s32 $0xFFFF8000  }
0x1a1: {  	[hbm4b:s21+s3] =	stream.linear.scatter [tilespmem:s10], [sflag:$0x2], $0x8000, $0x38;
	[tilespmem:$0x10800] =	vst v63  }
0x1a2: {  	_ =	swait.ge [sflag:s19], $0x8000  }
0x1a3: {  	[sflag:s19] =	ssyncset.done $0x0  }
0x1a4: {  	[sflag:s19] =	ssyncadd.s32 $0xFFFF8000  }
0x1a5: {  	v3 =	vld [tilespmem:$0x400];
	_ =	sdelay $0x4  }
0x1a6: {  	v48 =	vshll.u32 v3, $0x3  }
0x1a7: {  	v3 =	vand.u32 $0x7, v3;
	v4 =	vand.u32 $0xFFFFFFC0, v48  }
0x1a8: {  	v3 =	vor.u32 v3, v4  }
0x1a9: {  	v4 =	vperm.xlane v3, v0;
	_ =	sdelay $0x1  }
0x1aa: {  	v4 =	vadd.s32 v1, v4;
	_ =	sdelay $0x4  }
0x1ab: {  	[tilespmem:s10], [sflag:$0x1] =	stream.indirect_vreg.gather [hbm4b:s2+s3], $0x80, v4, vm0, $0xb8;
	[tilespmem:$0x10800] =	vst v63  }
0x1ac: {  	s21 =	simm.s32 $0x1000;
	v3 =	vperm.xlane v3, v2  }
0x1ad: {  	[tilespmem:s21], [sflag:$0x1] =	stream.indirect_vreg.gather [hbm4b:s5+s3], $0x80, v4, vm0, $0xb8;
	[tilespmem:$0x10800] =	vst v63  }
0x1ae: {  	v3 =	vadd.s32 v1, v3;
	s21 =	simm.s32 $0x1800  }
0x1af: {  	[tilespmem:s21], [sflag:$0x1] =	stream.indirect_vreg.gather [hbm4b:s6+s3], $0x80, v4, vm0, $0xb8;
	[tilespmem:$0x10800] =	vst v63  }
0x1b0: {  	s21 =	simm.s32 $0x2000  }
0x1b1: {  	[tilespmem:s21], [sflag:$0x1] =	stream.indirect_vreg.gather [hbm4b:s7+s3], $0x80, v4, vm0, $0xb8;
	[tilespmem:$0x10800] =	vst v63  }
0x1b2: {  	s21 =	simm.s32 $0x2800  }
0x1b3: {  	[tilespmem:s21], [sflag:$0x1] =	stream.indirect_vreg.gather [hbm4b:s2+s3], $0x80, v3, vm0, $0xb8;
	[tilespmem:$0x10800] =	vst v63  }
0x1b4: {  	s22 =	simm.s32 $0x3000  }
0x1b5: {  	[tilespmem:s22], [sflag:$0x1] =	stream.indirect_vreg.gather [hbm4b:s5+s3], $0x80, v3, vm0, $0xb8;
	[tilespmem:$0x10800] =	vst v63  }
0x1b6: {  	s23 =	simm.s32 $0x3800  }
0x1b7: {  	[tilespmem:s23], [sflag:$0x1] =	stream.indirect_vreg.gather [hbm4b:s6+s3], $0x80, v3, vm0, $0xb8;
	[tilespmem:$0x10800] =	vst v63  }
0x1b8: {  	s24 =	simm.s32 $0x4000  }
0x1b9: {  	[tilespmem:s24], [sflag:$0x1] =	stream.indirect_vreg.gather [hbm4b:s7+s3], $0x80, v3, vm0, $0xb8;
	[tilespmem:$0x10800] =	vst v63  }
0x1ba: {  	v3 =	vld [tilespmem:$0x410];
	_ =	sdelay $0x4  }
0x1bb: {  	v49 =	vshll.u32 v3, $0x3  }
0x1bc: {  	v3 =	vand.u32 $0x7, v3;
	v4 =	vand.u32 $0xFFFFFFC0, v49  }
0x1bd: {  	v3 =	vor.u32 v3, v4  }
0x1be: {  	v4 =	vperm.xlane v3, v0;
	_ =	sdelay $0x1  }
0x1bf: {  	v4 =	vadd.s32 v1, v4;
	_ =	sdelay $0x3  }
0x1c0: {  	s25 =	simm.s32 $0x4800  }
0x1c1: {  	[tilespmem:s25], [sflag:$0x1] =	stream.indirect_vreg.gather [hbm4b:s2+s3], $0x80, v4, vm0, $0xb8;
	[tilespmem:$0x10800] =	vst v63  }
0x1c2: {  	s28 =	simm.s32 $0x5000;
	v3 =	vperm.xlane v3, v2  }
0x1c3: {  	[tilespmem:s28], [sflag:$0x1] =	stream.indirect_vreg.gather [hbm4b:s5+s3], $0x80, v4, vm0, $0xb8;
	[tilespmem:$0x10800] =	vst v63  }
0x1c4: {  	s23 =	simm.s32 $0x5800;
	v3 =	vadd.s32 v1, v3  }
0x1c5: {  	[tilespmem:s23], [sflag:$0x1] =	stream.indirect_vreg.gather [hbm4b:s6+s3], $0x80, v4, vm0, $0xb8;
	[tilespmem:$0x10800] =	vst v63  }
0x1c6: {  	s23 =	simm.s32 $0x6000  }
0x1c7: {  	[tilespmem:s23], [sflag:$0x1] =	stream.indirect_vreg.gather [hbm4b:s7+s3], $0x80, v4, vm0, $0xb8;
	[tilespmem:$0x10800] =	vst v63  }
0x1c8: {  	s23 =	simm.s32 $0x6800  }
0x1c9: {  	[tilespmem:s23], [sflag:$0x1] =	stream.indirect_vreg.gather [hbm4b:s2+s3], $0x80, v3, vm0, $0xb8;
	[tilespmem:$0x10800] =	vst v63  }
0x1ca: {  	s23 =	simm.s32 $0x7000  }
0x1cb: {  	[tilespmem:s23], [sflag:$0x1] =	stream.indirect_vreg.gather [hbm4b:s5+s3], $0x80, v3, vm0, $0xb8;
	[tilespmem:$0x10800] =	vst v63  }
0x1cc: {  	s23 =	simm.s32 $0x7800  }
0x1cd: {  	[tilespmem:s23], [sflag:$0x1] =	stream.indirect_vreg.gather [hbm4b:s6+s3], $0x80, v3, vm0, $0xb8;
	[tilespmem:$0x10800] =	vst v63  }
0x1ce: {  	s12 =	simm.s32 $0x8000  }
0x1cf: {  	[tilespmem:s12], [sflag:$0x1] =	stream.indirect_vreg.gather [hbm4b:s7+s3], $0x80, v3, vm0, $0xb8;
	[tilespmem:$0x10800] =	vst v63  }
0x1d0: {  	_ =	swait.ge [sflag:s18], $0x8000  }
0x1d1: {  	[sflag:s18] =	ssyncset.done $0x0  }
0x1d2: {  	s23 =	rddreg [dreg:$0xb];
	[sflag:s18] =	ssyncadd.s32 $0xFFFF8000  }
0x1d3: {  	[hbm4b:s23+s3] =	stream.linear.scatter [tilespmem:s26], [sflag:$0x2], $0x8000, $0x38;
	[tilespmem:$0x10800] =	vst v63  }
0x1d4: {  	_ =	swait.ge [sflag:s19], $0x8000  }
0x1d5: {  	[sflag:s19] =	ssyncset.done $0x0  }
0x1d6: {  	[sflag:s19] =	ssyncadd.s32 $0xFFFF8000  }
0x1d7: {  	v3 =	vld [tilespmem:$0x480];
	_ =	sdelay $0x4  }
0x1d8: {  	v50 =	vshll.u32 v3, $0x3  }
0x1d9: {  	v3 =	vand.u32 $0x7, v3;
	v4 =	vand.u32 $0xFFFFFFC0, v50  }
0x1da: {  	v3 =	vor.u32 v3, v4  }
0x1db: {  	v4 =	vperm.xlane v3, v0;
	_ =	sdelay $0x1  }
0x1dc: {  	v4 =	vadd.s32 v1, v4;
	_ =	sdelay $0x4  }
0x1dd: {  	[tilespmem:s26], [sflag:$0x1] =	stream.indirect_vreg.gather [hbm4b:s2+s3], $0x80, v4, vm0, $0xb8;
	[tilespmem:$0x10800] =	vst v63  }
0x1de: {  	s23 =	simm.s32 $0x9000;
	v3 =	vperm.xlane v3, v2  }
0x1df: {  	[tilespmem:s23], [sflag:$0x1] =	stream.indirect_vreg.gather [hbm4b:s5+s3], $0x80, v4, vm0, $0xb8;
	[tilespmem:$0x10800] =	vst v63  }
0x1e0: {  	s0 =	simm.s32 $0x9800;
	v3 =	vadd.s32 v1, v3  }
0x1e1: {  	[tilespmem:s0], [sflag:$0x1] =	stream.indirect_vreg.gather [hbm4b:s6+s3], $0x80, v4, vm0, $0xb8;
	[tilespmem:$0x10800] =	vst v63  }
0x1e2: {  	s1 =	simm.s32 $0xA000  }
0x1e3: {  	[tilespmem:s1], [sflag:$0x1] =	stream.indirect_vreg.gather [hbm4b:s7+s3], $0x80, v4, vm0, $0xb8;
	[tilespmem:$0x10800] =	vst v63  }
0x1e4: {  	s4 =	simm.s32 $0xA800  }
0x1e5: {  	[tilespmem:s4], [sflag:$0x1] =	stream.indirect_vreg.gather [hbm4b:s2+s3], $0x80, v3, vm0, $0xb8;
	[tilespmem:$0x10800] =	vst v63  }
0x1e6: {  	s14 =	simm.s32 $0xB000  }
0x1e7: {  	[tilespmem:s14], [sflag:$0x1] =	stream.indirect_vreg.gather [hbm4b:s5+s3], $0x80, v3, vm0, $0xb8;
	[tilespmem:$0x10800] =	vst v63  }
0x1e8: {  	s8 =	simm.s32 $0xB800  }
0x1e9: {  	[tilespmem:s8], [sflag:$0x1] =	stream.indirect_vreg.gather [hbm4b:s6+s3], $0x80, v3, vm0, $0xb8;
	[tilespmem:$0x10800] =	vst v63  }
0x1ea: {  	s31 =	simm.s32 $0xC000  }
0x1eb: {  	[tilespmem:s31], [sflag:$0x1] =	stream.indirect_vreg.gather [hbm4b:s7+s3], $0x80, v3, vm0, $0xb8;
	[tilespmem:$0x10800] =	vst v63  }
0x1ec: {  	v3 =	vld [tilespmem:$0x490];
	_ =	sdelay $0x4  }
0x1ed: {  	v51 =	vshll.u32 v3, $0x3  }
0x1ee: {  	v3 =	vand.u32 $0x7, v3;
	v4 =	vand.u32 $0xFFFFFFC0, v51  }
0x1ef: {  	v3 =	vor.u32 v3, v4  }
0x1f0: {  	v4 =	vperm.xlane v3, v0;
	_ =	sdelay $0x1  }
0x1f1: {  	v4 =	vadd.s32 v1, v4;
	_ =	sdelay $0x3  }
0x1f2: {  	s29 =	simm.s32 $0xC800  }
0x1f3: {  	[tilespmem:s29], [sflag:$0x1] =	stream.indirect_vreg.gather [hbm4b:s2+s3], $0x80, v4, vm0, $0xb8;
	[tilespmem:$0x10800] =	vst v63  }
0x1f4: {  	s20 =	simm.s32 $0xD000;
	v3 =	vperm.xlane v3, v2  }
0x1f5: {  	[tilespmem:s20], [sflag:$0x1] =	stream.indirect_vreg.gather [hbm4b:s5+s3], $0x80, v4, vm0, $0xb8;
	[tilespmem:$0x10800] =	vst v63  }
0x1f6: {  	s9 =	simm.s32 $0xD800;
	v3 =	vadd.s32 v1, v3  }
0x1f7: {  	[tilespmem:s9], [sflag:$0x1] =	stream.indirect_vreg.gather [hbm4b:s6+s3], $0x80, v4, vm0, $0xb8;
	[tilespmem:$0x10800] =	vst v63  }
0x1f8: {  	s11 =	simm.s32 $0xE000  }
0x1f9: {  	[tilespmem:s11], [sflag:$0x1] =	stream.indirect_vreg.gather [hbm4b:s7+s3], $0x80, v4, vm0, $0xb8;
	[tilespmem:$0x10800] =	vst v63  }
0x1fa: {  	s15 =	simm.s32 $0xE800  }
0x1fb: {  	[tilespmem:s15], [sflag:$0x1] =	stream.indirect_vreg.gather [hbm4b:s2+s3], $0x80, v3, vm0, $0xb8;
	[tilespmem:$0x10800] =	vst v63  }
0x1fc: {  	s16 =	simm.s32 $0xF000  }
0x1fd: {  	[tilespmem:s16], [sflag:$0x1] =	stream.indirect_vreg.gather [hbm4b:s5+s3], $0x80, v3, vm0, $0xb8;
	[tilespmem:$0x10800] =	vst v63  }
0x1fe: {  	s13 =	simm.s32 $0xF800  }
0x1ff: {  	[tilespmem:s13], [sflag:$0x1] =	stream.indirect_vreg.gather [hbm4b:s6+s3], $0x80, v3, vm0, $0xb8;
	[tilespmem:$0x10800] =	vst v63  }
0x200: {  	s17 =	simm.s32 $0x10000  }
0x201: {  	[tilespmem:s17], [sflag:$0x1] =	stream.indirect_vreg.gather [hbm4b:s7+s3], $0x80, v3, vm0, $0xb8;
	[tilespmem:$0x10800] =	vst v63  }
0x202: {  	_ =	swait.ge [sflag:s18], $0x8000  }
0x203: {  	[sflag:s18] =	ssyncset.done $0x0  }
0x204: {  	s17 =	rddreg [dreg:$0xc];
	[sflag:s18] =	ssyncadd.s32 $0xFFFF8000  }
0x205: {  	[hbm4b:s17+s3] =	stream.linear.scatter [tilespmem:s10], [sflag:$0x2], $0x8000, $0x38;
	[tilespmem:$0x10800] =	vst v63  }
0x206: {  	_ =	swait.ge [sflag:s19], $0x8000  }
0x207: {  	[sflag:s19] =	ssyncset.done $0x0  }
0x208: {  	[sflag:s19] =	ssyncadd.s32 $0xFFFF8000  }
0x209: {  	v3 =	vld [tilespmem:$0x500];
	_ =	sdelay $0x4  }
0x20a: {  	v52 =	vshll.u32 v3, $0x3  }
0x20b: {  	v3 =	vand.u32 $0x7, v3;
	v4 =	vand.u32 $0xFFFFFFC0, v52  }
0x20c: {  	v3 =	vor.u32 v3, v4  }
0x20d: {  	v4 =	vperm.xlane v3, v0;
	_ =	sdelay $0x1  }
0x20e: {  	v4 =	vadd.s32 v1, v4;
	_ =	sdelay $0x4  }
0x20f: {  	[tilespmem:s10], [sflag:$0x1] =	stream.indirect_vreg.gather [hbm4b:s2+s3], $0x80, v4, vm0, $0xb8;
	[tilespmem:$0x10800] =	vst v63  }
0x210: {  	s20 =	simm.s32 $0x1000;
	v3 =	vperm.xlane v3, v2  }
0x211: {  	[tilespmem:s20], [sflag:$0x1] =	stream.indirect_vreg.gather [hbm4b:s5+s3], $0x80, v4, vm0, $0xb8;
	[tilespmem:$0x10800] =	vst v63  }
0x212: {  	v3 =	vadd.s32 v1, v3;
	s20 =	simm.s32 $0x1800  }
0x213: {  	[tilespmem:s20], [sflag:$0x1] =	stream.indirect_vreg.gather [hbm4b:s6+s3], $0x80, v4, vm0, $0xb8;
	[tilespmem:$0x10800] =	vst v63  }
0x214: {  	s20 =	simm.s32 $0x2000  }
0x215: {  	[tilespmem:s20], [sflag:$0x1] =	stream.indirect_vreg.gather [hbm4b:s7+s3], $0x80, v4, vm0, $0xb8;
	[tilespmem:$0x10800] =	vst v63  }
0x216: {  	s20 =	simm.s32 $0x2800  }
0x217: {  	[tilespmem:s20], [sflag:$0x1] =	stream.indirect_vreg.gather [hbm4b:s2+s3], $0x80, v3, vm0, $0xb8;
	[tilespmem:$0x10800] =	vst v63  }
0x218: {  	s21 =	simm.s32 $0x3000  }
0x219: {  	[tilespmem:s21], [sflag:$0x1] =	stream.indirect_vreg.gather [hbm4b:s5+s3], $0x80, v3, vm0, $0xb8;
	[tilespmem:$0x10800] =	vst v63  }
0x21a: {  	s22 =	simm.s32 $0x3800  }
0x21b: {  	[tilespmem:s22], [sflag:$0x1] =	stream.indirect_vreg.gather [hbm4b:s6+s3], $0x80, v3, vm0, $0xb8;
	[tilespmem:$0x10800] =	vst v63  }
0x21c: {  	s24 =	simm.s32 $0x4000  }
0x21d: {  	[tilespmem:s24], [sflag:$0x1] =	stream.indirect_vreg.gather [hbm4b:s7+s3], $0x80, v3, vm0, $0xb8;
	[tilespmem:$0x10800] =	vst v63  }
0x21e: {  	v3 =	vld [tilespmem:$0x510];
	_ =	sdelay $0x4  }
0x21f: {  	v53 =	vshll.u32 v3, $0x3  }
0x220: {  	v3 =	vand.u32 $0x7, v3;
	v4 =	vand.u32 $0xFFFFFFC0, v53  }
0x221: {  	v3 =	vor.u32 v3, v4  }
0x222: {  	v4 =	vperm.xlane v3, v0;
	_ =	sdelay $0x1  }
0x223: {  	v4 =	vadd.s32 v1, v4;
	_ =	sdelay $0x3  }
0x224: {  	s25 =	simm.s32 $0x4800  }
0x225: {  	[tilespmem:s25], [sflag:$0x1] =	stream.indirect_vreg.gather [hbm4b:s2+s3], $0x80, v4, vm0, $0xb8;
	[tilespmem:$0x10800] =	vst v63  }
0x226: {  	s28 =	simm.s32 $0x5000;
	v3 =	vperm.xlane v3, v2  }
0x227: {  	[tilespmem:s28], [sflag:$0x1] =	stream.indirect_vreg.gather [hbm4b:s5+s3], $0x80, v4, vm0, $0xb8;
	[tilespmem:$0x10800] =	vst v63  }
0x228: {  	s24 =	simm.s32 $0x5800;
	v3 =	vadd.s32 v1, v3  }
0x229: {  	[tilespmem:s24], [sflag:$0x1] =	stream.indirect_vreg.gather [hbm4b:s6+s3], $0x80, v4, vm0, $0xb8;
	[tilespmem:$0x10800] =	vst v63  }
0x22a: {  	s25 =	simm.s32 $0x6000  }
0x22b: {  	[tilespmem:s25], [sflag:$0x1] =	stream.indirect_vreg.gather [hbm4b:s7+s3], $0x80, v4, vm0, $0xb8;
	[tilespmem:$0x10800] =	vst v63  }
0x22c: {  	s28 =	simm.s32 $0x6800  }
0x22d: {  	[tilespmem:s28], [sflag:$0x1] =	stream.indirect_vreg.gather [hbm4b:s2+s3], $0x80, v3, vm0, $0xb8;
	[tilespmem:$0x10800] =	vst v63  }
0x22e: {  	s22 =	simm.s32 $0x7000  }
0x22f: {  	[tilespmem:s22], [sflag:$0x1] =	stream.indirect_vreg.gather [hbm4b:s5+s3], $0x80, v3, vm0, $0xb8;
	[tilespmem:$0x10800] =	vst v63  }
0x230: {  	s24 =	simm.s32 $0x7800  }
0x231: {  	[tilespmem:s24], [sflag:$0x1] =	stream.indirect_vreg.gather [hbm4b:s6+s3], $0x80, v3, vm0, $0xb8;
	[tilespmem:$0x10800] =	vst v63  }
0x232: {  	s12 =	simm.s32 $0x8000  }
0x233: {  	[tilespmem:s12], [sflag:$0x1] =	stream.indirect_vreg.gather [hbm4b:s7+s3], $0x80, v3, vm0, $0xb8;
	[tilespmem:$0x10800] =	vst v63  }
0x234: {  	_ =	swait.ge [sflag:s18], $0x8000  }
0x235: {  	[sflag:s18] =	ssyncset.done $0x0  }
0x236: {  	s25 =	rddreg [dreg:$0xd];
	[sflag:s18] =	ssyncadd.s32 $0xFFFF8000  }
0x237: {  	[hbm4b:s25+s3] =	stream.linear.scatter [tilespmem:s26], [sflag:$0x2], $0x8000, $0x38;
	[tilespmem:$0x10800] =	vst v63  }
0x238: {  	_ =	swait.ge [sflag:s19], $0x8000  }
0x239: {  	[sflag:s19] =	ssyncset.done $0x0  }
0x23a: {  	[sflag:s19] =	ssyncadd.s32 $0xFFFF8000  }
0x23b: {  	v3 =	vld [tilespmem:$0x580];
	_ =	sdelay $0x4  }
0x23c: {  	v54 =	vshll.u32 v3, $0x3  }
0x23d: {  	v3 =	vand.u32 $0x7, v3;
	v4 =	vand.u32 $0xFFFFFFC0, v54  }
0x23e: {  	v3 =	vor.u32 v3, v4  }
0x23f: {  	v4 =	vperm.xlane v3, v0;
	_ =	sdelay $0x1  }
0x240: {  	v4 =	vadd.s32 v1, v4;
	_ =	sdelay $0x4  }
0x241: {  	[tilespmem:s26], [sflag:$0x1] =	stream.indirect_vreg.gather [hbm4b:s2+s3], $0x80, v4, vm0, $0xb8;
	[tilespmem:$0x10800] =	vst v63  }
0x242: {  	s28 =	simm.s32 $0x9000;
	v3 =	vperm.xlane v3, v2  }
0x243: {  	[tilespmem:s28], [sflag:$0x1] =	stream.indirect_vreg.gather [hbm4b:s5+s3], $0x80, v4, vm0, $0xb8;
	[tilespmem:$0x10800] =	vst v63  }
0x244: {  	s0 =	simm.s32 $0x9800;
	v3 =	vadd.s32 v1, v3  }
0x245: {  	[tilespmem:s0], [sflag:$0x1] =	stream.indirect_vreg.gather [hbm4b:s6+s3], $0x80, v4, vm0, $0xb8;
	[tilespmem:$0x10800] =	vst v63  }
0x246: {  	s1 =	simm.s32 $0xA000  }
0x247: {  	[tilespmem:s1], [sflag:$0x1] =	stream.indirect_vreg.gather [hbm4b:s7+s3], $0x80, v4, vm0, $0xb8;
	[tilespmem:$0x10800] =	vst v63  }
0x248: {  	s4 =	simm.s32 $0xA800  }
0x249: {  	[tilespmem:s4], [sflag:$0x1] =	stream.indirect_vreg.gather [hbm4b:s2+s3], $0x80, v3, vm0, $0xb8;
	[tilespmem:$0x10800] =	vst v63  }
0x24a: {  	s23 =	simm.s32 $0xB000  }
0x24b: {  	[tilespmem:s23], [sflag:$0x1] =	stream.indirect_vreg.gather [hbm4b:s5+s3], $0x80, v3, vm0, $0xb8;
	[tilespmem:$0x10800] =	vst v63  }
0x24c: {  	s8 =	simm.s32 $0xB800  }
0x24d: {  	[tilespmem:s8], [sflag:$0x1] =	stream.indirect_vreg.gather [hbm4b:s6+s3], $0x80, v3, vm0, $0xb8;
	[tilespmem:$0x10800] =	vst v63  }
0x24e: {  	s31 =	simm.s32 $0xC000  }
0x24f: {  	[tilespmem:s31], [sflag:$0x1] =	stream.indirect_vreg.gather [hbm4b:s7+s3], $0x80, v3, vm0, $0xb8;
	[tilespmem:$0x10800] =	vst v63  }
0x250: {  	v3 =	vld [tilespmem:$0x590];
	_ =	sdelay $0x4  }
0x251: {  	v55 =	vshll.u32 v3, $0x3  }
0x252: {  	v3 =	vand.u32 $0x7, v3;
	v4 =	vand.u32 $0xFFFFFFC0, v55  }
0x253: {  	v3 =	vor.u32 v3, v4  }
0x254: {  	v4 =	vperm.xlane v3, v0;
	_ =	sdelay $0x1  }
0x255: {  	v4 =	vadd.s32 v1, v4;
	_ =	sdelay $0x3  }
0x256: {  	s29 =	simm.s32 $0xC800  }
0x257: {  	[tilespmem:s29], [sflag:$0x1] =	stream.indirect_vreg.gather [hbm4b:s2+s3], $0x80, v4, vm0, $0xb8;
	[tilespmem:$0x10800] =	vst v63  }
0x258: {  	v3 =	vperm.xlane v3, v2;
	s29 =	simm.s32 $0xD000  }
0x259: {  	[tilespmem:s29], [sflag:$0x1] =	stream.indirect_vreg.gather [hbm4b:s5+s3], $0x80, v4, vm0, $0xb8;
	[tilespmem:$0x10800] =	vst v63  }
0x25a: {  	s9 =	simm.s32 $0xD800;
	v3 =	vadd.s32 v1, v3  }
0x25b: {  	[tilespmem:s9], [sflag:$0x1] =	stream.indirect_vreg.gather [hbm4b:s6+s3], $0x80, v4, vm0, $0xb8;
	[tilespmem:$0x10800] =	vst v63  }
0x25c: {  	s11 =	simm.s32 $0xE000  }
0x25d: {  	[tilespmem:s11], [sflag:$0x1] =	stream.indirect_vreg.gather [hbm4b:s7+s3], $0x80, v4, vm0, $0xb8;
	[tilespmem:$0x10800] =	vst v63  }
0x25e: {  	s14 =	simm.s32 $0xE800  }
0x25f: {  	[tilespmem:s14], [sflag:$0x1] =	stream.indirect_vreg.gather [hbm4b:s2+s3], $0x80, v3, vm0, $0xb8;
	[tilespmem:$0x10800] =	vst v63  }
0x260: {  	s15 =	simm.s32 $0xF000  }
0x261: {  	[tilespmem:s15], [sflag:$0x1] =	stream.indirect_vreg.gather [hbm4b:s5+s3], $0x80, v3, vm0, $0xb8;
	[tilespmem:$0x10800] =	vst v63  }
0x262: {  	s13 =	simm.s32 $0xF800  }
0x263: {  	[tilespmem:s13], [sflag:$0x1] =	stream.indirect_vreg.gather [hbm4b:s6+s3], $0x80, v3, vm0, $0xb8;
	[tilespmem:$0x10800] =	vst v63  }
0x264: {  	s16 =	simm.s32 $0x10000  }
0x265: {  	[tilespmem:s16], [sflag:$0x1] =	stream.indirect_vreg.gather [hbm4b:s7+s3], $0x80, v3, vm0, $0xb8;
	[tilespmem:$0x10800] =	vst v63  }
0x266: {  	_ =	swait.ge [sflag:s18], $0x8000  }
0x267: {  	[sflag:s18] =	ssyncset.done $0x0  }
0x268: {  	s9 =	rddreg [dreg:$0xe];
	[sflag:s18] =	ssyncadd.s32 $0xFFFF8000  }
0x269: {  	[hbm4b:s9+s3] =	stream.linear.scatter [tilespmem:s10], [sflag:$0x2], $0x8000, $0x38;
	[tilespmem:$0x10800] =	vst v63  }
0x26a: {  	_ =	swait.ge [sflag:s19], $0x8000  }
0x26b: {  	[sflag:s19] =	ssyncset.done $0x0  }
0x26c: {  	[sflag:s19] =	ssyncadd.s32 $0xFFFF8000  }
0x26d: {  	v3 =	vld [tilespmem:$0x600];
	_ =	sdelay $0x4  }
0x26e: {  	v56 =	vshll.u32 v3, $0x3  }
0x26f: {  	v3 =	vand.u32 $0x7, v3;
	v4 =	vand.u32 $0xFFFFFFC0, v56  }
0x270: {  	v3 =	vor.u32 v3, v4  }
0x271: {  	v4 =	vperm.xlane v3, v0;
	_ =	sdelay $0x1  }
0x272: {  	v4 =	vadd.s32 v1, v4;
	_ =	sdelay $0x4  }
0x273: {  	[tilespmem:s10], [sflag:$0x1] =	stream.indirect_vreg.gather [hbm4b:s2+s3], $0x80, v4, vm0, $0xb8;
	[tilespmem:$0x10800] =	vst v63  }
0x274: {  	s15 =	simm.s32 $0x1000;
	v3 =	vperm.xlane v3, v2  }
0x275: {  	[tilespmem:s15], [sflag:$0x1] =	stream.indirect_vreg.gather [hbm4b:s5+s3], $0x80, v4, vm0, $0xb8;
	[tilespmem:$0x10800] =	vst v63  }
0x276: {  	s16 =	simm.s32 $0x1800;
	v3 =	vadd.s32 v1, v3  }
0x277: {  	[tilespmem:s16], [sflag:$0x1] =	stream.indirect_vreg.gather [hbm4b:s6+s3], $0x80, v4, vm0, $0xb8;
	[tilespmem:$0x10800] =	vst v63  }
0x278: {  	s20 =	simm.s32 $0x2000  }
0x279: {  	[tilespmem:s20], [sflag:$0x1] =	stream.indirect_vreg.gather [hbm4b:s7+s3], $0x80, v4, vm0, $0xb8;
	[tilespmem:$0x10800] =	vst v63  }
0x27a: {  	s25 =	simm.s32 $0x2800  }
0x27b: {  	[tilespmem:s25], [sflag:$0x1] =	stream.indirect_vreg.gather [hbm4b:s2+s3], $0x80, v3, vm0, $0xb8;
	[tilespmem:$0x10800] =	vst v63  }
0x27c: {  	s17 =	simm.s32 $0x3000  }
0x27d: {  	[tilespmem:s17], [sflag:$0x1] =	stream.indirect_vreg.gather [hbm4b:s5+s3], $0x80, v3, vm0, $0xb8;
	[tilespmem:$0x10800] =	vst v63  }
0x27e: {  	s21 =	simm.s32 $0x3800  }
0x27f: {  	[tilespmem:s21], [sflag:$0x1] =	stream.indirect_vreg.gather [hbm4b:s6+s3], $0x80, v3, vm0, $0xb8;
	[tilespmem:$0x10800] =	vst v63  }
0x280: {  	s28 =	simm.s32 $0x4000  }
0x281: {  	[tilespmem:s28], [sflag:$0x1] =	stream.indirect_vreg.gather [hbm4b:s7+s3], $0x80, v3, vm0, $0xb8;
	[tilespmem:$0x10800] =	vst v63  }
0x282: {  	v3 =	vld [tilespmem:$0x610];
	_ =	sdelay $0x4  }
0x283: {  	v57 =	vshll.u32 v3, $0x3  }
0x284: {  	v3 =	vand.u32 $0x7, v3;
	v4 =	vand.u32 $0xFFFFFFC0, v57  }
0x285: {  	v3 =	vor.u32 v3, v4  }
0x286: {  	v4 =	vperm.xlane v3, v0;
	_ =	sdelay $0x1  }
0x287: {  	v4 =	vadd.s32 v1, v4;
	_ =	sdelay $0x3  }
0x288: {  	s29 =	simm.s32 $0x4800  }
0x289: {  	[tilespmem:s29], [sflag:$0x1] =	stream.indirect_vreg.gather [hbm4b:s2+s3], $0x80, v4, vm0, $0xb8;
	[tilespmem:$0x10800] =	vst v63  }
0x28a: {  	s20 =	simm.s32 $0x5000;
	v3 =	vperm.xlane v3, v2  }
0x28b: {  	[tilespmem:s20], [sflag:$0x1] =	stream.indirect_vreg.gather [hbm4b:s5+s3], $0x80, v4, vm0, $0xb8;
	[tilespmem:$0x10800] =	vst v63  }
0x28c: {  	s21 =	simm.s32 $0x5800;
	v3 =	vadd.s32 v1, v3  }
0x28d: {  	[tilespmem:s21], [sflag:$0x1] =	stream.indirect_vreg.gather [hbm4b:s6+s3], $0x80, v4, vm0, $0xb8;
	[tilespmem:$0x10800] =	vst v63  }
0x28e: {  	s20 =	simm.s32 $0x6000  }
0x28f: {  	[tilespmem:s20], [sflag:$0x1] =	stream.indirect_vreg.gather [hbm4b:s7+s3], $0x80, v4, vm0, $0xb8;
	[tilespmem:$0x10800] =	vst v63  }
0x290: {  	s21 =	simm.s32 $0x6800  }
0x291: {  	[tilespmem:s21], [sflag:$0x1] =	stream.indirect_vreg.gather [hbm4b:s2+s3], $0x80, v3, vm0, $0xb8;
	[tilespmem:$0x10800] =	vst v63  }
0x292: {  	s20 =	simm.s32 $0x7000  }
0x293: {  	[tilespmem:s20], [sflag:$0x1] =	stream.indirect_vreg.gather [hbm4b:s5+s3], $0x80, v3, vm0, $0xb8;
	[tilespmem:$0x10800] =	vst v63  }
0x294: {  	s21 =	simm.s32 $0x7800  }
0x295: {  	[tilespmem:s21], [sflag:$0x1] =	stream.indirect_vreg.gather [hbm4b:s6+s3], $0x80, v3, vm0, $0xb8;
	[tilespmem:$0x10800] =	vst v63  }
0x296: {  	s12 =	simm.s32 $0x8000  }
0x297: {  	[tilespmem:s12], [sflag:$0x1] =	stream.indirect_vreg.gather [hbm4b:s7+s3], $0x80, v3, vm0, $0xb8;
	[tilespmem:$0x10800] =	vst v63  }
0x298: {  	_ =	swait.ge [sflag:s18], $0x8000  }
0x299: {  	[sflag:s18] =	ssyncset.done $0x0  }
0x29a: {  	s12 =	rddreg [dreg:$0xf];
	[sflag:s18] =	ssyncadd.s32 $0xFFFF8000  }
0x29b: {  	[hbm4b:s12+s3] =	stream.linear.scatter [tilespmem:s26], [sflag:$0x2], $0x8000, $0x38;
	[tilespmem:$0x10800] =	vst v63  }
0x29c: {  	_ =	swait.ge [sflag:s19], $0x8000  }
0x29d: {  	[sflag:s19] =	ssyncset.done $0x0  }
0x29e: {  	[sflag:s19] =	ssyncadd.s32 $0xFFFF8000  }
0x29f: {  	v3 =	vld [tilespmem:$0x680];
	_ =	sdelay $0x4  }
0x2a0: {  	v58 =	vshll.u32 v3, $0x3  }
0x2a1: {  	v3 =	vand.u32 $0x7, v3;
	v4 =	vand.u32 $0xFFFFFFC0, v58  }
0x2a2: {  	v3 =	vor.u32 v3, v4  }
0x2a3: {  	v4 =	vperm.xlane v3, v0;
	_ =	sdelay $0x1  }
0x2a4: {  	v4 =	vadd.s32 v1, v4;
	_ =	sdelay $0x4  }
0x2a5: {  	[tilespmem:s26], [sflag:$0x1] =	stream.indirect_vreg.gather [hbm4b:s2+s3], $0x80, v4, vm0, $0xb8;
	[tilespmem:$0x10800] =	vst v63  }
0x2a6: {  	s21 =	simm.s32 $0x9000;
	v3 =	vperm.xlane v3, v2  }
0x2a7: {  	[tilespmem:s21], [sflag:$0x1] =	stream.indirect_vreg.gather [hbm4b:s5+s3], $0x80, v4, vm0, $0xb8;
	[tilespmem:$0x10800] =	vst v63  }
0x2a8: {  	s0 =	simm.s32 $0x9800;
	v3 =	vadd.s32 v1, v3  }
0x2a9: {  	[tilespmem:s0], [sflag:$0x1] =	stream.indirect_vreg.gather [hbm4b:s6+s3], $0x80, v4, vm0, $0xb8;
	[tilespmem:$0x10800] =	vst v63  }
0x2aa: {  	s1 =	simm.s32 $0xA000  }
0x2ab: {  	[tilespmem:s1], [sflag:$0x1] =	stream.indirect_vreg.gather [hbm4b:s7+s3], $0x80, v4, vm0, $0xb8;
	[tilespmem:$0x10800] =	vst v63  }
0x2ac: {  	s4 =	simm.s32 $0xA800  }
0x2ad: {  	[tilespmem:s4], [sflag:$0x1] =	stream.indirect_vreg.gather [hbm4b:s2+s3], $0x80, v3, vm0, $0xb8;
	[tilespmem:$0x10800] =	vst v63  }
0x2ae: {  	s22 =	simm.s32 $0xB000  }
0x2af: {  	[tilespmem:s22], [sflag:$0x1] =	stream.indirect_vreg.gather [hbm4b:s5+s3], $0x80, v3, vm0, $0xb8;
	[tilespmem:$0x10800] =	vst v63  }
0x2b0: {  	s8 =	simm.s32 $0xB800  }
0x2b1: {  	[tilespmem:s8], [sflag:$0x1] =	stream.indirect_vreg.gather [hbm4b:s6+s3], $0x80, v3, vm0, $0xb8;
	[tilespmem:$0x10800] =	vst v63  }
0x2b2: {  	s31 =	simm.s32 $0xC000  }
0x2b3: {  	[tilespmem:s31], [sflag:$0x1] =	stream.indirect_vreg.gather [hbm4b:s7+s3], $0x80, v3, vm0, $0xb8;
	[tilespmem:$0x10800] =	vst v63  }
0x2b4: {  	v3 =	vld [tilespmem:$0x690];
	_ =	sdelay $0x4  }
0x2b5: {  	v59 =	vshll.u32 v3, $0x3  }
0x2b6: {  	v3 =	vand.u32 $0x7, v3;
	v4 =	vand.u32 $0xFFFFFFC0, v59  }
0x2b7: {  	v3 =	vor.u32 v3, v4  }
0x2b8: {  	v4 =	vperm.xlane v3, v0;
	_ =	sdelay $0x1  }
0x2b9: {  	v4 =	vadd.s32 v1, v4;
	_ =	sdelay $0x3  }
0x2ba: {  	s24 =	simm.s32 $0xC800  }
0x2bb: {  	[tilespmem:s24], [sflag:$0x1] =	stream.indirect_vreg.gather [hbm4b:s2+s3], $0x80, v4, vm0, $0xb8;
	[tilespmem:$0x10800] =	vst v63  }
0x2bc: {  	s20 =	simm.s32 $0xD000;
	v3 =	vperm.xlane v3, v2  }
0x2bd: {  	[tilespmem:s20], [sflag:$0x1] =	stream.indirect_vreg.gather [hbm4b:s5+s3], $0x80, v4, vm0, $0xb8;
	[tilespmem:$0x10800] =	vst v63  }
0x2be: {  	s22 =	simm.s32 $0xD800;
	v3 =	vadd.s32 v1, v3  }
0x2bf: {  	[tilespmem:s22], [sflag:$0x1] =	stream.indirect_vreg.gather [hbm4b:s6+s3], $0x80, v4, vm0, $0xb8;
	[tilespmem:$0x10800] =	vst v63  }
0x2c0: {  	s11 =	simm.s32 $0xE000  }
0x2c1: {  	[tilespmem:s11], [sflag:$0x1] =	stream.indirect_vreg.gather [hbm4b:s7+s3], $0x80, v4, vm0, $0xb8;
	[tilespmem:$0x10800] =	vst v63  }
0x2c2: {  	s14 =	simm.s32 $0xE800  }
0x2c3: {  	[tilespmem:s14], [sflag:$0x1] =	stream.indirect_vreg.gather [hbm4b:s2+s3], $0x80, v3, vm0, $0xb8;
	[tilespmem:$0x10800] =	vst v63  }
0x2c4: {  	s23 =	simm.s32 $0xF000  }
0x2c5: {  	[tilespmem:s23], [sflag:$0x1] =	stream.indirect_vreg.gather [hbm4b:s5+s3], $0x80, v3, vm0, $0xb8;
	[tilespmem:$0x10800] =	vst v63  }
0x2c6: {  	s13 =	simm.s32 $0xF800  }
0x2c7: {  	[tilespmem:s13], [sflag:$0x1] =	stream.indirect_vreg.gather [hbm4b:s6+s3], $0x80, v3, vm0, $0xb8;
	[tilespmem:$0x10800] =	vst v63  }
0x2c8: {  	s20 =	simm.s32 $0x10000  }
0x2c9: {  	[tilespmem:s20], [sflag:$0x1] =	stream.indirect_vreg.gather [hbm4b:s7+s3], $0x80, v3, vm0, $0xb8;
	[tilespmem:$0x10800] =	vst v63  }
0x2ca: {  	_ =	swait.ge [sflag:s18], $0x8000  }
0x2cb: {  	[sflag:s18] =	ssyncset.done $0x0  }
0x2cc: {  	s23 =	rddreg [dreg:$0x10];
	[sflag:s18] =	ssyncadd.s32 $0xFFFF8000  }
0x2cd: {  	[hbm4b:s23+s3] =	stream.linear.scatter [tilespmem:s10], [sflag:$0x2], $0x8000, $0x38;
	[tilespmem:$0x10800] =	vst v63  }
0x2ce: {  	_ =	swait.ge [sflag:s19], $0x8000  }
0x2cf: {  	[sflag:s19] =	ssyncset.done $0x0  }
0x2d0: {  	[sflag:s19] =	ssyncadd.s32 $0xFFFF8000  }
0x2d1: {  	v3 =	vld [tilespmem:$0x700];
	_ =	sdelay $0x4  }
0x2d2: {  	v60 =	vshll.u32 v3, $0x3  }
0x2d3: {  	v3 =	vand.u32 $0x7, v3;
	v4 =	vand.u32 $0xFFFFFFC0, v60  }
0x2d4: {  	v3 =	vor.u32 v3, v4  }
0x2d5: {  	v4 =	vperm.xlane v3, v0;
	_ =	sdelay $0x1  }
0x2d6: {  	v4 =	vadd.s32 v1, v4;
	_ =	sdelay $0x4  }
0x2d7: {  	[tilespmem:s10], [sflag:$0x1] =	stream.indirect_vreg.gather [hbm4b:s2+s3], $0x80, v4, vm0, $0xb8;
	[tilespmem:$0x10800] =	vst v63  }
0x2d8: {  	s23 =	simm.s32 $0x1000;
	v3 =	vperm.xlane v3, v2  }
0x2d9: {  	[tilespmem:s23], [sflag:$0x1] =	stream.indirect_vreg.gather [hbm4b:s5+s3], $0x80, v4, vm0, $0xb8;
	[tilespmem:$0x10800] =	vst v63  }
0x2da: {  	v3 =	vadd.s32 v1, v3;
	s23 =	simm.s32 $0x1800  }
0x2db: {  	[tilespmem:s23], [sflag:$0x1] =	stream.indirect_vreg.gather [hbm4b:s6+s3], $0x80, v4, vm0, $0xb8;
	[tilespmem:$0x10800] =	vst v63  }
0x2dc: {  	s23 =	simm.s32 $0x2000  }
0x2dd: {  	[tilespmem:s23], [sflag:$0x1] =	stream.indirect_vreg.gather [hbm4b:s7+s3], $0x80, v4, vm0, $0xb8;
	[tilespmem:$0x10800] =	vst v63  }
0x2de: {  	s9 =	simm.s32 $0x2800  }
0x2df: {  	[tilespmem:s9], [sflag:$0x1] =	stream.indirect_vreg.gather [hbm4b:s2+s3], $0x80, v3, vm0, $0xb8;
	[tilespmem:$0x10800] =	vst v63  }
0x2e0: {  	s15 =	simm.s32 $0x3000  }
0x2e1: {  	[tilespmem:s15], [sflag:$0x1] =	stream.indirect_vreg.gather [hbm4b:s5+s3], $0x80, v3, vm0, $0xb8;
	[tilespmem:$0x10800] =	vst v63  }
0x2e2: {  	s16 =	simm.s32 $0x3800  }
0x2e3: {  	[tilespmem:s16], [sflag:$0x1] =	stream.indirect_vreg.gather [hbm4b:s6+s3], $0x80, v3, vm0, $0xb8;
	[tilespmem:$0x10800] =	vst v63  }
0x2e4: {  	s25 =	simm.s32 $0x4000  }
0x2e5: {  	[tilespmem:s25], [sflag:$0x1] =	stream.indirect_vreg.gather [hbm4b:s7+s3], $0x80, v3, vm0, $0xb8;
	[tilespmem:$0x10800] =	vst v63  }
0x2e6: {  	v3 =	vld [tilespmem:$0x710];
	_ =	sdelay $0x4  }
0x2e7: {  	v61 =	vshll.u32 v3, $0x3  }
0x2e8: {  	v3 =	vand.u32 $0x7, v3;
	v4 =	vand.u32 $0xFFFFFFC0, v61  }
0x2e9: {  	v3 =	vor.u32 v3, v4  }
0x2ea: {  	v4 =	vperm.xlane v3, v0;
	_ =	sdelay $0x1  }
0x2eb: {  	v4 =	vadd.s32 v1, v4;
	_ =	sdelay $0x3  }
0x2ec: {  	s28 =	simm.s32 $0x4800  }
0x2ed: {  	[tilespmem:s28], [sflag:$0x1] =	stream.indirect_vreg.gather [hbm4b:s2+s3], $0x80, v4, vm0, $0xb8;
	[tilespmem:$0x10800] =	vst v63  }
0x2ee: {  	s29 =	simm.s32 $0x5000;
	v3 =	vperm.xlane v3, v2  }
0x2ef: {  	[tilespmem:s29], [sflag:$0x1] =	stream.indirect_vreg.gather [hbm4b:s5+s3], $0x80, v4, vm0, $0xb8;
	[tilespmem:$0x10800] =	vst v63  }
0x2f0: {  	s25 =	simm.s32 $0x5800;
	v3 =	vadd.s32 v1, v3  }
0x2f1: {  	[tilespmem:s25], [sflag:$0x1] =	stream.indirect_vreg.gather [hbm4b:s6+s3], $0x80, v4, vm0, $0xb8;
	[tilespmem:$0x10800] =	vst v63  }
0x2f2: {  	s28 =	simm.s32 $0x6000  }
0x2f3: {  	[tilespmem:s28], [sflag:$0x1] =	stream.indirect_vreg.gather [hbm4b:s7+s3], $0x80, v4, vm0, $0xb8;
	[tilespmem:$0x10800] =	vst v63  }
0x2f4: {  	s29 =	simm.s32 $0x6800  }
0x2f5: {  	[tilespmem:s29], [sflag:$0x1] =	stream.indirect_vreg.gather [hbm4b:s2+s3], $0x80, v3, vm0, $0xb8;
	[tilespmem:$0x10800] =	vst v63  }
0x2f6: {  	s15 =	simm.s32 $0x7000  }
0x2f7: {  	[tilespmem:s15], [sflag:$0x1] =	stream.indirect_vreg.gather [hbm4b:s5+s3], $0x80, v3, vm0, $0xb8;
	[tilespmem:$0x10800] =	vst v63  }
0x2f8: {  	s16 =	simm.s32 $0x7800  }
0x2f9: {  	[tilespmem:s16], [sflag:$0x1] =	stream.indirect_vreg.gather [hbm4b:s6+s3], $0x80, v3, vm0, $0xb8;
	[tilespmem:$0x10800] =	vst v63  }
0x2fa: {  	s17 =	simm.s32 $0x8000  }
0x2fb: {  	[tilespmem:s17], [sflag:$0x1] =	stream.indirect_vreg.gather [hbm4b:s7+s3], $0x80, v3, vm0, $0xb8;
	[tilespmem:$0x10800] =	vst v63  }
0x2fc: {  	_ =	swait.ge [sflag:s18], $0x8000  }
0x2fd: {  	[sflag:s18] =	ssyncset.done $0x0  }
0x2fe: {  	s17 =	rddreg [dreg:$0x11];
	[sflag:s18] =	ssyncadd.s32 $0xFFFF8000  }
0x2ff: {  	[hbm4b:s17+s3] =	stream.linear.scatter [tilespmem:s26], [sflag:$0x2], $0x8000, $0x38;
	[tilespmem:$0x10800] =	vst v63  }
0x300: {  	_ =	swait.ge [sflag:s19], $0x8000  }
0x301: {  	[sflag:s19] =	ssyncset.done $0x0  }
0x302: {  	[sflag:s19] =	ssyncadd.s32 $0xFFFF8000  }
0x303: {  	v3 =	vld [tilespmem:$0x780];
	_ =	sdelay $0x4  }
0x304: {  	v62 =	vshll.u32 v3, $0x3  }
0x305: {  	v3 =	vand.u32 $0x7, v3;
	v4 =	vand.u32 $0xFFFFFFC0, v62  }
0x306: {  	v3 =	vor.u32 v3, v4  }
0x307: {  	v4 =	vperm.xlane v3, v0;
	_ =	sdelay $0x1  }
0x308: {  	v4 =	vadd.s32 v1, v4;
	_ =	sdelay $0x4  }
0x309: {  	[tilespmem:s26], [sflag:$0x1] =	stream.indirect_vreg.gather [hbm4b:s2+s3], $0x80, v4, vm0, $0xb8;
	[tilespmem:$0x10800] =	vst v63  }
0x30a: {  	s23 =	simm.s32 $0x9000;
	v3 =	vperm.xlane v3, v2  }
0x30b: {  	[tilespmem:s23], [sflag:$0x1] =	stream.indirect_vreg.gather [hbm4b:s5+s3], $0x80, v4, vm0, $0xb8;
	[tilespmem:$0x10800] =	vst v63  }
0x30c: {  	s12 =	simm.s32 $0x9800;
	v3 =	vadd.s32 v1, v3  }
0x30d: {  	[tilespmem:s12], [sflag:$0x1] =	stream.indirect_vreg.gather [hbm4b:s6+s3], $0x80, v4, vm0, $0xb8;
	[tilespmem:$0x10800] =	vst v63  }
0x30e: {  	s0 =	simm.s32 $0xA000  }
0x30f: {  	[tilespmem:s0], [sflag:$0x1] =	stream.indirect_vreg.gather [hbm4b:s7+s3], $0x80, v4, vm0, $0xb8;
	[tilespmem:$0x10800] =	vst v63  }
0x310: {  	s1 =	simm.s32 $0xA800  }
0x311: {  	[tilespmem:s1], [sflag:$0x1] =	stream.indirect_vreg.gather [hbm4b:s2+s3], $0x80, v3, vm0, $0xb8;
	[tilespmem:$0x10800] =	vst v63  }
0x312: {  	s21 =	simm.s32 $0xB000  }
0x313: {  	[tilespmem:s21], [sflag:$0x1] =	stream.indirect_vreg.gather [hbm4b:s5+s3], $0x80, v3, vm0, $0xb8;
	[tilespmem:$0x10800] =	vst v63  }
0x314: {  	s4 =	simm.s32 $0xB800  }
0x315: {  	[tilespmem:s4], [sflag:$0x1] =	stream.indirect_vreg.gather [hbm4b:s6+s3], $0x80, v3, vm0, $0xb8;
	[tilespmem:$0x10800] =	vst v63  }
0x316: {  	s31 =	simm.s32 $0xC000  }
0x317: {  	[tilespmem:s31], [sflag:$0x1] =	stream.indirect_vreg.gather [hbm4b:s7+s3], $0x80, v3, vm0, $0xb8;
	[tilespmem:$0x10800] =	vst v63  }
0x318: {  	v3 =	vld [tilespmem:$0x790];
	_ =	sdelay $0x4  }
0x319: {  	v63 =	vshll.u32 v3, $0x3  }
0x31a: {  	v3 =	vand.u32 $0x7, v3;
	v4 =	vand.u32 $0xFFFFFFC0, v63  }
0x31b: {  	v3 =	vor.u32 v3, v4  }
0x31c: {  	v4 =	vperm.xlane v3, v0;
	_ =	sdelay $0x1  }
0x31d: {  	v4 =	vadd.s32 v1, v4;
	_ =	sdelay $0x3  }
0x31e: {  	s24 =	simm.s32 $0xC800  }
0x31f: {  	[tilespmem:s24], [sflag:$0x1] =	stream.indirect_vreg.gather [hbm4b:s2+s3], $0x80, v4, vm0, $0xb8;
	[tilespmem:$0x10800] =	vst v63  }
0x320: {  	s25 =	simm.s32 $0xD000;
	v3 =	vperm.xlane v3, v2  }
0x321: {  	[tilespmem:s25], [sflag:$0x1] =	stream.indirect_vreg.gather [hbm4b:s5+s3], $0x80, v4, vm0, $0xb8;
	[tilespmem:$0x10800] =	vst v63  }
0x322: {  	s28 =	simm.s32 $0xD800;
	v3 =	vadd.s32 v1, v3  }
0x323: {  	[tilespmem:s28], [sflag:$0x1] =	stream.indirect_vreg.gather [hbm4b:s6+s3], $0x80, v4, vm0, $0xb8;
	[tilespmem:$0x10800] =	vst v63  }
0x324: {  	s8 =	simm.s32 $0xE000  }
0x325: {  	[tilespmem:s8], [sflag:$0x1] =	stream.indirect_vreg.gather [hbm4b:s7+s3], $0x80, v4, vm0, $0xb8;
	[tilespmem:$0x10800] =	vst v63  }
0x326: {  	s22 =	simm.s32 $0xE800  }
0x327: {  	[tilespmem:s22], [sflag:$0x1] =	stream.indirect_vreg.gather [hbm4b:s2+s3], $0x80, v3, vm0, $0xb8;
	[tilespmem:$0x10800] =	vst v63  }
0x328: {  	s14 =	simm.s32 $0xF000  }
0x329: {  	[tilespmem:s14], [sflag:$0x1] =	stream.indirect_vreg.gather [hbm4b:s5+s3], $0x80, v3, vm0, $0xb8;
	[tilespmem:$0x10800] =	vst v63  }
0x32a: {  	s11 =	simm.s32 $0xF800  }
0x32b: {  	[tilespmem:s11], [sflag:$0x1] =	stream.indirect_vreg.gather [hbm4b:s6+s3], $0x80, v3, vm0, $0xb8;
	[tilespmem:$0x10800] =	vst v63  }
0x32c: {  	s13 =	simm.s32 $0x10000  }
0x32d: {  	[tilespmem:s13], [sflag:$0x1] =	stream.indirect_vreg.gather [hbm4b:s7+s3], $0x80, v3, vm0, $0xb8;
	[tilespmem:$0x10800] =	vst v63  }
0x32e: {  	_ =	swait.ge [sflag:s18], $0x8000  }
0x32f: {  	[sflag:s18] =	ssyncset.done $0x0  }
0x330: {  	s29 =	rddreg [dreg:$0x12];
	[sflag:s18] =	ssyncadd.s32 $0xFFFF8000  }
0x331: {  	[hbm4b:s29+s3] =	stream.linear.scatter [tilespmem:s10], [sflag:$0x2], $0x8000, $0x38;
	[tilespmem:$0x10800] =	vst v63  }
0x332: {  	_ =	swait.ge [sflag:s18], $0x8000  }
0x333: {  	[sflag:s18] =	ssyncset.done $0x0  }
0x334: {  	s31 =	rddreg [dreg:$0x13];
	[sflag:s18] =	ssyncadd.s32 $0xFFFF8000  }
0x335: {  	[hbm4b:s31+s3] =	stream.linear.scatter [tilespmem:s26], [sflag:$0x2], $0x8000, $0x38;
	[tilespmem:$0x10800] =	vst v63  }
0x336: {  	p0 =	sne.s32 s30, $0x1;
	_ =	swait.ge [sflag:s19], $0x8000  }
.Ltmp0:
0x337: {  	[sflag:s19] =	ssyncset.done $0x0;
	(pc) =	sbr.rel @p0 .LBB2_1-.Ltmp0, $4  }
0x338: {  	[sflag:s19] =	ssyncadd.s32 $0xFFFF8000  }
0x339: {  	_ =	swait.ge [sflag:s19], $0x8000  }
0x33a: {  	[sflag:s19] =	ssyncset.done $0x0  }
0x33b: {  	s30 =	sadd.s32 $0xFFFFFFFF, s30;
	[sflag:s19] =	ssyncadd.s32 $0xFFFF8000  }
0x33c: {  	_ =	sfence.sel $0x180000  }
0x33d: {  	[bflag:$0x0] =	sbarrier.arrive $0xFFFF  }
0x33e: {  	_ =	strace $0x90000047  }
0x33f: {  	s0 =	stileid.u32;
	[bflag:$0x2] =	sbarrier.arrive $0xFFFF  }
0x340: {  	p0 =	sne.s32 s0, $0x0;
	s0 =	rddreg [dreg:$0x3]  }
0x341: {  	s0 =	sadd.s32 @!p0 $0x100000, s0  }
0x342: {  	[sflag:s0] =	ssyncadd.tile.s32 @!p0 $0x1;
	_ =	shalt  }
.Lfunc_end2:
_tile_overlayer_lowered:
.L_overlay_start_2:
0x343: {  	(tag) =	ssettag $0x2  }
0x344: {  	s0 =	rddreg [dreg:$0x0];
	s2 =	stileid.u32  }
0x345: {  	s1 =	rddreg [dreg:$0x1];
	p0 =	sne.s32 s2, $0x0  }
0x346: {  	s3 =	rddreg [dreg:$0x2];
	[bflag:$0x3] =	sbarrier.arrive $0xFFFF;
	s2 =	simm.s32 @!p0 $0x1C03  }
0x347: {  	[timem:s3], [sflag:s2] =	dma.local @!p0 [hbm:s0], s1  }
0x348: {  	s0 =	simm.s32 @!p0 $0x3  }
0x349: {  	_ =	swait.ge @!p0 [sflag:s0], s1  }
0x34a: {  	s1 =	ssub.s32 @!p0 $0x0, s1;
	[sflag:s0] =	ssyncset.done @!p0 $0x0  }
0x34b: {  	[sflag:s0] =	ssyncadd.s32 @!p0 s1  }
0x34c: {  	[bflag:$0x3] =	sbarrier.arrive $0xFFFF  }
0x34d: {  	_ =	shalt  }

</sc_bundles>
